<compile_context>
chip_gen: v7x
topology: tpu7x:2x2x1
jax: 0.10.2.dev20260603
libtpu: 0.0.44.dev20260713+nightly
codegen_flags: <defaults>
</compile_context>

<pallas_src>
import jax
import jax.numpy as jnp
from jax import lax
from jax.experimental import pallas as pl
from jax.experimental.pallas import tpu as pltpu

_B = 16
_M = 128
_N = 1024
_E = 32768
_D = 64


def _graph_kernel(pos_s, eid_s, starts_s, attr_ref, emb_ref, batch_ref,
                  out_ref, bg_ref):
    b = pl.program_id(0)

    @pl.when(b == 0)
    def _():
        r = lax.broadcasted_iota(jnp.int32, (_M * _M, _D), 0)
        i = r >> 7
        j = r & (_M - 1)
        e1 = emb_ref[1:2, :]
        e2 = emb_ref[2:3, :]
        bg_ref[...] = jnp.where(i == j, e1, e2)

    out_ref[...] = bg_ref[...]

    bv = batch_ref[...]
    cnt = jnp.minimum(jnp.sum(jnp.where(bv == b, 1, 0)), _M)
    e2row = emb_ref[2:3, :]

    def fix_body(i, carry):
        out_ref[pl.ds(i * (_M + 1), 1), :] = e2row
        return carry

    lax.fori_loop(cnt, _M, fix_body, 0)

    s0 = starts_s[b]
    s1 = starts_s[b + 1]

    def zero_body(k, carry):
        p = pos_s[k]
        out_ref[pl.ds(p, 1), :] = jnp.zeros((1, _D), jnp.float32)
        return carry

    lax.fori_loop(s0, s1, zero_body, 0)

    def add_body(k, carry):
        p = pos_s[k]
        e = eid_s[k]
        row = attr_ref[pl.ds(e, 1), :]
        out_ref[pl.ds(p, 1), :] += row
        return carry

    lax.fori_loop(s0, s1, add_body, 0)


def kernel(edge_attr, emb, edge_index, batch_vec):
    src = edge_index[0]
    dst = edge_index[1]
    counts = jnp.bincount(batch_vec, length=_B)
    cum = jnp.concatenate(
        [jnp.zeros((1,), counts.dtype), jnp.cumsum(counts)])[:-1]
    g = batch_vec[src]
    off = cum[g]
    i0 = src - off
    i1 = dst - off
    valid = (i0 >= 0) & (i0 < _M) & (i1 >= 0) & (i1 < _M)
    key = jnp.where(valid, g, _B).astype(jnp.int32)
    order = jnp.argsort(key).astype(jnp.int32)
    pos_s = (i0[order] * _M + i1[order]).astype(jnp.int32)
    eid_s = order
    starts = jnp.searchsorted(
        key[order], jnp.arange(_B + 1, dtype=jnp.int32)).astype(jnp.int32)

    emb_pad = jnp.zeros((8, _D), jnp.float32).at[:3].set(emb)
    batch_2d = batch_vec.reshape(8, 128).astype(jnp.int32)

    out = pl.pallas_call(
        _graph_kernel,
        grid_spec=pltpu.PrefetchScalarGridSpec(
            num_scalar_prefetch=3,
            grid=(_B,),
            in_specs=[
                pl.BlockSpec((_E, _D), lambda b, *_: (0, 0)),
                pl.BlockSpec((8, _D), lambda b, *_: (0, 0)),
                pl.BlockSpec((8, 128), lambda b, *_: (0, 0)),
            ],
            out_specs=pl.BlockSpec((_M * _M, _D), lambda b, *_: (b, 0)),
            scratch_shapes=[pltpu.VMEM((_M * _M, _D), jnp.float32)],
        ),
        out_shape=jax.ShapeDtypeStruct((_B * _M * _M, _D), jnp.float32),
    )(pos_s, eid_s, starts, edge_attr, emb_pad, batch_2d)
    return out.reshape(_B, _M, _M, _D)

# --- scband reference (transcript-rebuilt; emitter-appended) ---
"""Pipeline reference for scband-dense-edge-encoder-49237505081544 (READ-ONLY COPY).

The authoritative reference and input builder live on the scoring server;
editing this copy changes nothing except your own understanding.
"""

import jax, jax.numpy as jnp
import numpy as np

B = 16
M = 128
N = 1024
E = 32768
D = 64


def _forward(edge_attr, emb, edge_index, batch_vec):
    # --- to_dense_adj(edge_index, batch=batch_vec, edge_attr=edge_attr) ---
    counts = jnp.bincount(batch_vec, length=B)
    cum = jnp.concatenate([jnp.zeros((1,), counts.dtype), jnp.cumsum(counts)])[:-1]
    src = edge_index[0]
    dst = edge_index[1]
    g = batch_vec[src]
    off = cum[g]
    i0 = src - off
    i1 = dst - off
    valid = (i0 >= 0) & (i0 < M) & (i1 >= 0) & (i1 < M)
    flat = jnp.where(valid, (g * M + i0) * M + i1, B * M * M)
    dense = jnp.zeros((B * M * M + 1, D), edge_attr.dtype).at[flat].add(
        jnp.where(valid[:, None], edge_attr, 0.0))
    edge_dense = dense[:B * M * M].reshape(B, M, M, D)

    # --- get_dense_edge_types: attr=2 on edges, add_self_loops fill=1, A = 2 - to_dense_adj ---
    sl_i = jnp.arange(N, dtype=batch_vec.dtype) - cum[batch_vec]
    sl_valid = (sl_i >= 0) & (sl_i < M)
    sl_flat = jnp.where(sl_valid, (batch_vec * M + sl_i) * M + sl_i, B * M * M)
    all_flat = jnp.concatenate([flat, sl_flat])
    all_attr = jnp.concatenate([
        jnp.where(valid, 2, 0).astype(jnp.int32),
        jnp.where(sl_valid, 1, 0).astype(jnp.int32),
    ])
    typ = jnp.zeros((B * M * M + 1,), jnp.int32).at[all_flat].add(all_attr)
    A = 2 - typ[:B * M * M].reshape(B, M, M)
    A = jnp.clip(A, 0, 2)  # guards duplicate-edge collisions (same clamp jnp indexing applies)

    # --- nn.Embedding(3, D, padding_idx=0) lookup; row 0 is the zero vector ---
    lookup = jnp.take(emb, A, axis=0)
    lookup = jnp.where((A != 0)[..., None], lookup, 0.0)
    return edge_dense + lookup


def setup_inputs(seed: int = 0):
    key = jax.random.key(seed)
    k1, k2, k3, k4 = jax.random.split(key, 4)
    edge_index = jax.random.randint(k1, (2, E), 0, N, dtype=jnp.int32)
    edge_attr = jax.random.normal(k2, (E, D), dtype=jnp.float32)
    batch_vec = jnp.sort(jax.random.randint(k3, (N,), 0, B, dtype=jnp.int32))
    emb = jax.random.normal(k4, (3, D), dtype=jnp.float32)
    emb = emb.at[0].set(0.0)  # padding_idx=0
    return {"edge_attr": edge_attr, "emb": emb, "edge_index": edge_index, "batch_vec": batch_vec}


def reference(edge_attr, emb, edge_index, batch_vec):
    return _forward(edge_attr, emb, edge_index, batch_vec)

if __name__ == "__main__":
    import jax
    _d = setup_inputs()
    print(jax.jit(kernel)(*tuple(_d.values())))

</pallas_src>

<mosaic_0001>
module attributes {stable_mosaic.version = 14 : i64} {
  func.func @_graph_kernel(%arg0: i32, %arg1: memref<32768xi32, #tpu.memory_space<smem>>, %arg2: memref<32768xi32, #tpu.memory_space<smem>>, %arg3: memref<17xi32, #tpu.memory_space<smem>>, %arg4: memref<32768x64xf32, #tpu.memory_space<vmem>>, %arg5: memref<8x64xf32, #tpu.memory_space<vmem>>, %arg6: memref<8x128xi32, #tpu.memory_space<vmem>>, %arg7: memref<16384x64xf32, #tpu.memory_space<vmem>>, %arg8: memref<16384x64xf32, #tpu.memory_space<vmem>>) attributes {dimension_semantics = [#tpu.dimension_semantics<arbitrary>], iteration_bounds = array<i64: 16>, scalar_prefetch = 3 : i64, scratch_operands = 1 : i64, tpu.core_type = #tpu.core_type<tc>, window_params = [{pipeline_mode = #tpu.pipeline_mode<synchronous>, transform_indices = @transform_0, window_bounds = array<i64: 32768, 64>}, {pipeline_mode = #tpu.pipeline_mode<synchronous>, transform_indices = @transform_1, window_bounds = array<i64: 8, 64>}, {pipeline_mode = #tpu.pipeline_mode<synchronous>, transform_indices = @transform_2, window_bounds = array<i64: 8, 128>}, {transform_indices = @transform_3, window_bounds = array<i64: 16384, 64>}]} {
    %eq3A = arith.constant 0 : i32
    %eq3A_0 = arith.cmpi eq, %arg0, %eq3A : i32
    %convert_element_type3A = arith.extui %eq3A_0 : i1 to i32
    %cond3A = arith.constant 0 : i32
    %cond3A_1 = arith.cmpi ne, %convert_element_type3A, %cond3A : i32
    scf.if %cond3A_1 {
      %iota3A = tpu.iota {dimensions = array<i32: 0>} : vector<16384x64xi32>
      %shift_right_arithmetic3A = arith.constant 7 : i32
      %shift_right_arithmetic3A_53 = vector.broadcast %shift_right_arithmetic3A : i32 to vector<16384x64xi32>
      %shift_right_arithmetic3A_54 = arith.shrsi %iota3A, %shift_right_arithmetic3A_53 : vector<16384x64xi32>
      %and3A = arith.constant 127 : i32
      %and3A_55 = vector.broadcast %and3A : i32 to vector<16384x64xi32>
      %and3A_56 = arith.andi %iota3A, %and3A_55 : vector<16384x64xi32>
      %get3A_57 = arith.constant 1 : index
      %get3A_58 = arith.constant 0 : index
      %get3A_59 = vector.load %arg5[%get3A_57, %get3A_58] : memref<8x64xf32, #tpu.memory_space<vmem>>, vector<1x64xf32>
      %get3A_60 = arith.constant 2 : index
      %get3A_61 = arith.constant 0 : index
      %get3A_62 = vector.load %arg5[%get3A_60, %get3A_61] : memref<8x64xf32, #tpu.memory_space<vmem>>, vector<1x64xf32>
      %eq3A_63 = arith.cmpi eq, %shift_right_arithmetic3A_54, %and3A_56 : vector<16384x64xi32>
      %broadcast_in_dim3A_64 = vector.shape_cast %get3A_59 : vector<1x64xf32> to vector<1x64xf32>
      %broadcast_in_dim3A_65 = vector.broadcast %broadcast_in_dim3A_64 : vector<1x64xf32> to vector<16384x64xf32>
      %broadcast_in_dim3A_66 = vector.shape_cast %get3A_62 : vector<1x64xf32> to vector<1x64xf32>
      %broadcast_in_dim3A_67 = vector.broadcast %broadcast_in_dim3A_66 : vector<1x64xf32> to vector<16384x64xf32>
      %select_n3A_68 = arith.select %eq3A_63, %broadcast_in_dim3A_65, %broadcast_in_dim3A_67 : vector<16384x64xi1>, vector<16384x64xf32>
      %swap3A_69 = arith.constant 0 : index
      %swap3A_70 = arith.constant 0 : index
      %swap3A_71 = vector.load %arg8[%swap3A_69, %swap3A_70] : memref<16384x64xf32, #tpu.memory_space<vmem>>, vector<16384x64xf32>
      tpu.vector_store %arg8[%swap3A_69, %swap3A_70], %select_n3A_68 {strides = array<i32>} : memref<16384x64xf32, #tpu.memory_space<vmem>>, vector<16384x64xf32>,
    } else {
    }
    %get3A = arith.constant 0 : index
    %get3A_2 = arith.constant 0 : index
    %get3A_3 = vector.load %arg8[%get3A, %get3A_2] : memref<16384x64xf32, #tpu.memory_space<vmem>>, vector<16384x64xf32>
    %swap3A = arith.constant 0 : index
    %swap3A_4 = arith.constant 0 : index
    %swap3A_5 = vector.load %arg7[%swap3A, %swap3A_4] : memref<16384x64xf32, #tpu.memory_space<vmem>>, vector<16384x64xf32>
    tpu.vector_store %arg7[%swap3A, %swap3A_4], %get3A_3 {strides = array<i32>} : memref<16384x64xf32, #tpu.memory_space<vmem>>, vector<16384x64xf32>,
    %get3A_6 = arith.constant 0 : index
    %get3A_7 = arith.constant 0 : index
    %get3A_8 = vector.load %arg6[%get3A_6, %get3A_7] : memref<8x128xi32, #tpu.memory_space<vmem>>, vector<8x128xi32>
    %eq3A_9 = vector.broadcast %arg0 : i32 to vector<8x128xi32>
    %eq3A_10 = arith.cmpi eq, %get3A_8, %eq3A_9 : vector<8x128xi32>
    %jit3A = arith.constant 1 : i32
    %jit3A_11 = arith.constant 0 : i32
    %broadcast_in_dim3A = vector.broadcast %jit3A : i32 to vector<8x128xi32>
    %broadcast_in_dim3A_12 = vector.broadcast %jit3A_11 : i32 to vector<8x128xi32>
    %select_n3A = arith.select %eq3A_10, %broadcast_in_dim3A, %broadcast_in_dim3A_12 : vector<8x128xi1>, vector<8x128xi32>
    %reduce_sum3A = vector.shape_cast %select_n3A : vector<8x128xi32> to vector<1x8x128xi32>
    %reduce_sum3A_13 = arith.constant dense<0> : vector<1xi32>
    %reduce_sum3A_14 = vector.multi_reduction <add>, %reduce_sum3A, %reduce_sum3A_13 [1, 2] : vector<1x8x128xi32> to vector<1xi32>
    %reduce_sum3A_15 = vector.shape_cast %reduce_sum3A_14 : vector<1xi32> to vector<1x1x1xi32>
    %reduce_sum3A_16 = vector.extract %reduce_sum3A_15[0, 0, 0] : i32 from vector<1x1x1xi32>
    %min3A = arith.constant 128 : i32
    %min3A_17 = arith.minsi %reduce_sum3A_16, %min3A : i32
    %get3A_18 = arith.constant 2 : index
    %get3A_19 = arith.constant 0 : index
    %get3A_20 = vector.load %arg5[%get3A_18, %get3A_19] : memref<8x64xf32, #tpu.memory_space<vmem>>, vector<1x64xf32>
    %while3A = arith.constant 0 : i32
    %while3A_21 = arith.constant 128 : i32
    %while3A_22 = arith.subi %while3A_21, %min3A_17 : i32
    %while3A_23 = arith.addi %min3A_17, %while3A_22 : i32
    %while3A_24 = arith.constant 1 : i32
    %while3A_25 = arith.divsi %while3A_22, %while3A_24 : i32
    %while3A_26 = arith.muli %while3A_25, %while3A_24 : i32
    %while3A_27 = arith.addi %min3A_17, %while3A_26 : i32
    %while3A_28 = arith.constant 1 : i32
    scf.for %while3A_53 = %min3A_17 to %while3A_27 step %while3A_28  : i32 {
      %mul3A = arith.constant 129 : i32
      %mul3A_54 = arith.muli %while3A_53, %mul3A : i32
      %swap3A_55 = arith.index_cast %mul3A_54 : i32 to index
      %swap3A_56 = arith.constant 0 : index
      %swap3A_57 = vector.load %arg7[%swap3A_55, %swap3A_56] : memref<16384x64xf32, #tpu.memory_space<vmem>>, vector<1x64xf32>
      tpu.vector_store %arg7[%swap3A_55, %swap3A_56], %get3A_20 {strides = array<i32>} : memref<16384x64xf32, #tpu.memory_space<vmem>>, vector<1x64xf32>,
    }
    %while3A_29 = arith.constant 1 : i32
    scf.for %while3A_53 = %while3A_27 to %while3A_23 step %while3A_29  : i32 {
      %mul3A = arith.constant 129 : i32
      %mul3A_54 = arith.muli %while3A_53, %mul3A : i32
      %swap3A_55 = arith.index_cast %mul3A_54 : i32 to index
      %swap3A_56 = arith.constant 0 : index
      %swap3A_57 = vector.load %arg7[%swap3A_55, %swap3A_56] : memref<16384x64xf32, #tpu.memory_space<vmem>>, vector<1x64xf32>
      tpu.vector_store %arg7[%swap3A_55, %swap3A_56], %get3A_20 {strides = array<i32>} : memref<16384x64xf32, #tpu.memory_space<vmem>>, vector<1x64xf32>,
    }
    %get3A_30 = arith.index_cast %arg0 : i32 to index
    %get3A_31 = memref.load %arg3[%get3A_30] : memref<17xi32, #tpu.memory_space<smem>>
    %add3A = arith.constant 1 : i32
    %add3A_32 = arith.addi %arg0, %add3A : i32
    %get3A_33 = arith.index_cast %add3A_32 : i32 to index
    %get3A_34 = memref.load %arg3[%get3A_33] : memref<17xi32, #tpu.memory_space<smem>>
    %while3A_35 = arith.constant 0 : i32
    %while3A_36 = arith.subi %get3A_34, %get3A_31 : i32
    %while3A_37 = arith.addi %get3A_31, %while3A_36 : i32
    %while3A_38 = arith.constant 1 : i32
    %while3A_39 = arith.divsi %while3A_36, %while3A_38 : i32
    %while3A_40 = arith.muli %while3A_39, %while3A_38 : i32
    %while3A_41 = arith.addi %get3A_31, %while3A_40 : i32
    %while3A_42 = arith.constant 1 : i32
    scf.for %while3A_53 = %get3A_31 to %while3A_41 step %while3A_42  : i32 {
      %get3A_54 = arith.index_cast %while3A_53 : i32 to index
      %get3A_55 = memref.load %arg1[%get3A_54] : memref<32768xi32, #tpu.memory_space<smem>>
      %broadcast_in_dim3A_56 = arith.constant 0.000000e+00 : f32
      %broadcast_in_dim3A_57 = vector.broadcast %broadcast_in_dim3A_56 : f32 to vector<1x64xf32>
      %swap3A_58 = arith.index_cast %get3A_55 : i32 to index
      %swap3A_59 = arith.constant 0 : index
      %swap3A_60 = vector.load %arg7[%swap3A_58, %swap3A_59] : memref<16384x64xf32, #tpu.memory_space<vmem>>, vector<1x64xf32>
      tpu.vector_store %arg7[%swap3A_58, %swap3A_59], %broadcast_in_dim3A_57 {strides = array<i32>} : memref<16384x64xf32, #tpu.memory_space<vmem>>, vector<1x64xf32>,
    }
    %while3A_43 = arith.constant 1 : i32
    scf.for %while3A_53 = %while3A_41 to %while3A_37 step %while3A_43  : i32 {
      %get3A_54 = arith.index_cast %while3A_53 : i32 to index
      %get3A_55 = memref.load %arg1[%get3A_54] : memref<32768xi32, #tpu.memory_space<smem>>
      %broadcast_in_dim3A_56 = arith.constant 0.000000e+00 : f32
      %broadcast_in_dim3A_57 = vector.broadcast %broadcast_in_dim3A_56 : f32 to vector<1x64xf32>
      %swap3A_58 = arith.index_cast %get3A_55 : i32 to index
      %swap3A_59 = arith.constant 0 : index
      %swap3A_60 = vector.load %arg7[%swap3A_58, %swap3A_59] : memref<16384x64xf32, #tpu.memory_space<vmem>>, vector<1x64xf32>
      tpu.vector_store %arg7[%swap3A_58, %swap3A_59], %broadcast_in_dim3A_57 {strides = array<i32>} : memref<16384x64xf32, #tpu.memory_space<vmem>>, vector<1x64xf32>,
    }
    %while3A_44 = arith.constant 0 : i32
    %while3A_45 = arith.subi %get3A_34, %get3A_31 : i32
    %while3A_46 = arith.addi %get3A_31, %while3A_45 : i32
    %while3A_47 = arith.constant 1 : i32
    %while3A_48 = arith.divsi %while3A_45, %while3A_47 : i32
    %while3A_49 = arith.muli %while3A_48, %while3A_47 : i32
    %while3A_50 = arith.addi %get3A_31, %while3A_49 : i32
    %while3A_51 = arith.constant 1 : i32
    scf.for %while3A_53 = %get3A_31 to %while3A_50 step %while3A_51  : i32 {
      %get3A_54 = arith.index_cast %while3A_53 : i32 to index
      %get3A_55 = memref.load %arg1[%get3A_54] : memref<32768xi32, #tpu.memory_space<smem>>
      %get3A_56 = arith.index_cast %while3A_53 : i32 to index
      %get3A_57 = memref.load %arg2[%get3A_56] : memref<32768xi32, #tpu.memory_space<smem>>
      %get3A_58 = arith.index_cast %get3A_57 : i32 to index
      %get3A_59 = arith.constant 0 : index
      %get3A_60 = vector.load %arg4[%get3A_58, %get3A_59] : memref<32768x64xf32, #tpu.memory_space<vmem>>, vector<1x64xf32>
      %get3A_61 = arith.index_cast %get3A_55 : i32 to index
      %get3A_62 = arith.constant 0 : index
      %get3A_63 = vector.load %arg7[%get3A_61, %get3A_62] : memref<16384x64xf32, #tpu.memory_space<vmem>>, vector<1x64xf32>
      %add3A_64 = arith.addf %get3A_63, %get3A_60 : vector<1x64xf32>
      %swap3A_65 = arith.index_cast %get3A_55 : i32 to index
      %swap3A_66 = arith.constant 0 : index
      %swap3A_67 = vector.load %arg7[%swap3A_65, %swap3A_66] : memref<16384x64xf32, #tpu.memory_space<vmem>>, vector<1x64xf32>
      tpu.vector_store %arg7[%swap3A_65, %swap3A_66], %add3A_64 {strides = array<i32>} : memref<16384x64xf32, #tpu.memory_space<vmem>>, vector<1x64xf32>,
    }
    %while3A_52 = arith.constant 1 : i32
    scf.for %while3A_53 = %while3A_50 to %while3A_46 step %while3A_52  : i32 {
      %get3A_54 = arith.index_cast %while3A_53 : i32 to index
      %get3A_55 = memref.load %arg1[%get3A_54] : memref<32768xi32, #tpu.memory_space<smem>>
      %get3A_56 = arith.index_cast %while3A_53 : i32 to index
      %get3A_57 = memref.load %arg2[%get3A_56] : memref<32768xi32, #tpu.memory_space<smem>>
      %get3A_58 = arith.index_cast %get3A_57 : i32 to index
      %get3A_59 = arith.constant 0 : index
      %get3A_60 = vector.load %arg4[%get3A_58, %get3A_59] : memref<32768x64xf32, #tpu.memory_space<vmem>>, vector<1x64xf32>
      %get3A_61 = arith.index_cast %get3A_55 : i32 to index
      %get3A_62 = arith.constant 0 : index
      %get3A_63 = vector.load %arg7[%get3A_61, %get3A_62] : memref<16384x64xf32, #tpu.memory_space<vmem>>, vector<1x64xf32>
      %add3A_64 = arith.addf %get3A_63, %get3A_60 : vector<1x64xf32>
      %swap3A_65 = arith.index_cast %get3A_55 : i32 to index
      %swap3A_66 = arith.constant 0 : index
      %swap3A_67 = vector.load %arg7[%swap3A_65, %swap3A_66] : memref<16384x64xf32, #tpu.memory_space<vmem>>, vector<1x64xf32>
      tpu.vector_store %arg7[%swap3A_65, %swap3A_66], %add3A_64 {strides = array<i32>} : memref<16384x64xf32, #tpu.memory_space<vmem>>, vector<1x64xf32>,
    }
    return
  }
  func.func @transform_0(%arg0: i32, %arg1: memref<32768xi32, #tpu.memory_space<smem>>, %arg2: memref<32768xi32, #tpu.memory_space<smem>>, %arg3: memref<17xi32, #tpu.memory_space<smem>>) -> (i32, i32) {
    %c0_i32 = arith.constant 0 : i32
    %c0_i32_0 = arith.constant 0 : i32
    %c0_i32_1 = arith.constant 0 : i32
    return %c0_i32, %c0_i32_0 : i32, i32
  }
  func.func @transform_1(%arg0: i32, %arg1: memref<32768xi32, #tpu.memory_space<smem>>, %arg2: memref<32768xi32, #tpu.memory_space<smem>>, %arg3: memref<17xi32, #tpu.memory_space<smem>>) -> (i32, i32) {
    %c0_i32 = arith.constant 0 : i32
    %c0_i32_0 = arith.constant 0 : i32
    %c0_i32_1 = arith.constant 0 : i32
    return %c0_i32, %c0_i32_0 : i32, i32
  }
  func.func @transform_2(%arg0: i32, %arg1: memref<32768xi32, #tpu.memory_space<smem>>, %arg2: memref<32768xi32, #tpu.memory_space<smem>>, %arg3: memref<17xi32, #tpu.memory_space<smem>>) -> (i32, i32) {
    %c0_i32 = arith.constant 0 : i32
    %c0_i32_0 = arith.constant 0 : i32
    %c0_i32_1 = arith.constant 0 : i32
    return %c0_i32, %c0_i32_0 : i32, i32
  }
  func.func @transform_3(%arg0: i32, %arg1: memref<32768xi32, #tpu.memory_space<smem>>, %arg2: memref<32768xi32, #tpu.memory_space<smem>>, %arg3: memref<17xi32, #tpu.memory_space<smem>>) -> (i32, i32) {
    %c0_i32 = arith.constant 0 : i32
    %c0_i32_0 = arith.constant 0 : i32
    return %arg0, %c0_i32 : i32, i32
  }
}

</mosaic_0001>

<sc_bundles>
// kernel: gather_offload_async_start.1
scs
__scs_entry_jumppad:
0x0: {  	(pc) =	sbr.rel $0x88, $3  }
0x1: {  	(tag) =	ssettag $0x0;
	lr =	simm.s32 $0x1  }
0x2: {  	[smem:$0x3F9D] =	sst lr;
	_ =	strace $0xD0000000  }
0x3: {  	_ = 	snop  }
0x4: {  	_ = 	snop  }
0x5: {  	_ = 	snop  }
0x6: {  	_ = 	snop  }
0x7: {  	_ = 	snop  }
__scs_overlays_trampoline_lowered:
0x8: {  	[smem:$0x3FAC] =	sst s0  }
0x9: {  	[smem:$0x3FAD] =	sst s1  }
0xa: {  	[smem:$0x3FAE] =	sst s2  }
0xb: {  	[smem:$0x3FAF] =	sst s3  }
0xc: {  	[smem:$0x3FB0] =	sst s4  }
0xd: {  	[smem:$0x3FB1] =	sst s5  }
0xe: {  	[smem:$0x3FB2] =	sst s6  }
0xf: {  	[smem:$0x3FB3] =	sst s7  }
0x10: {  	[smem:$0x3FB4] =	sst s8  }
0x11: {  	[smem:$0x3FB5] =	sst s9;
	s0 =	simm.s32 @!p0 $0x0  }
0x12: {  	s1 =	sld [smem:$0x3F9B];
	s0 =	simm.s32 @p0 $0x1  }
0x13: {  	[smem:$0x3FB6] =	sst s0;
	s0 =	simm.s32 @!p1 $0x0  }
0x14: {  	s2 =	sld [smem:$0x3F9A];
	s0 =	simm.s32 @p1 $0x1  }
0x15: {  	[smem:$0x3FB7] =	sst s0;
	s0 =	simm.s32 @!p2 $0x0  }
0x16: {  	s3 =	sld [smem:$0x3FDB];
	s0 =	simm.s32 @p2 $0x1  }
0x17: {  	s4 =	simm.s32 $0x1BF5;
	[smem:$0x3FB9] =	sst s0  }
0x18: {  	s0 =	sld [smem:$0x3F9C];
	_ =	swait.ge [sflag:s4], $0x0  }
0x19: {  	s7 =	sld [smem:$0x3F9D]  }
0x1a: {  	s8 =	sadd.s32 $0xFFFFE003, lr  }
0x1b: {  	s9 =	sadd.s32 $0xFFFFFEF7, lr;
	s5 =	simm.s32 $0xFFFFFFFF;
	p2 =	slt.u32 s8, $0xFFFFF086  }
0x1c: {  	p1 =	slt.u32 s9, $0xF7A;
	s5 =	simm.s32 @!p2 $0x0  }
0x1d: {  	s5 =	simm.s32 @p1 $0x1;
	p0 =	seq.s32 s7, s2  }
0x1e: {  	s7 =	smul.u32 @!p0 $0xF7A, s2;
	p2 =	seq.s32 @!p0 s5, $0x0  }
0x1f: {  	s9 =	smul.u32 $0xF7A, s1;
	s8 =	simm.s32 @!p0 $0x1BF5;
	p2 =	por !p2, p0  }
0x20: {  	[sflag:s8] =	ssyncset.s32 @!p0 $0xFFFFF086;
	s6 =	sadd.s32 @!p0 s3, s7;
	s7 =	simm.s32 @!p0 $0x108  }
0x21: {  	s3 =	sadd.s32 s3, s9;
	s6 =	sadd.s32 @!p0 $0x88, s6;
	s7 =	simm.s32 @p2 $0x1082  }
0x22: {  	[simem:s7], [sflag:s8] =	dma.local @!p0 [hbm:s6], $0xF7A  }
0x23: {  	s9 =	sor.u32 $0xD0000000, s2;
	s6 =	simm.s32 $0x108;
	_ =	swait.ge @!p0 [sflag:s8], $0x0  }
0x24: {  	s3 =	sadd.s32 $0x88, s3;
	s6 =	simm.s32 @!p1 $0x1082;
	[sflag:s4] =	ssyncset.s32 $0xFFFFF086  }
0x25: {  	[simem:s6], [sflag:s4] =	dma.local [hbm:s3], $0xF7A  }
0x26: {  	[smem:$0x3F9D] =	sst s1;
	(tag) =	ssettag s2;
	_ =	strace s9  }
0x27: {  	s1 =	sld [smem:$0x3FAD]  }
0x28: {  	s2 =	sld [smem:$0x3FAE]  }
0x29: {  	s4 =	sld [smem:$0x3FB0]  }
0x2a: {  	p0 =	seq.s32 s5, $0x0;
	s5 =	sld [smem:$0x3FB1]  }
0x2b: {  	s6 =	sld [smem:$0x3FB2]  }
0x2c: {  	s7 =	sld [smem:$0x3FB3]  }
0x2d: {  	s3 =	simm.s32 $0x108;
	s8 =	sld [smem:$0x3FB4]  }
0x2e: {  	s3 =	simm.s32 @!p0 $0x1082;
	s9 =	sld [smem:$0x3FB5]  }
0x2f: {  	lr =	sadd.s32 s0, s3;
	s0 =	sld [smem:$0x3FAC]  }
0x30: {  	s3 =	sld [smem:$0x3FAF]  }
0x31: {  	[smem:$0x3FB8] =	sst s10  }
0x32: {  	s10 =	sld [smem:$0x3FB6];
	_ =	sdelay $0x3  }
0x33: {  	p0 =	seq.s32 s10, $0x1;
	s10 =	sld [smem:$0x3FB8];
	_ =	sdelay $0x3  }
0x34: {  	[smem:$0x3FB8] =	sst s10  }
0x35: {  	s10 =	sld [smem:$0x3FB7];
	_ =	sdelay $0x3  }
0x36: {  	p1 =	seq.s32 s10, $0x1;
	s10 =	sld [smem:$0x3FB8];
	_ =	sdelay $0x3  }
0x37: {  	[smem:$0x3FB8] =	sst s10  }
0x38: {  	s10 =	sld [smem:$0x3FB9]  }
0x39: {  	_ = 	snop;
	(pc) =	sbr.ind lr, $3  }
0x3a: {  	_ = 	snop  }
0x3b: {  	_ = 	snop  }
0x3c: {  	p2 =	seq.s32 s10, $0x1;
	s10 =	sld [smem:$0x3FB8]  }
0x3d: {  	_ =	shalt  }
0x3e: {  	_ =	shalt  }
0x3f: {  	_ =	shalt  }
0x40: {  	_ =	shalt  }
0x41: {  	_ =	shalt  }
0x42: {  	_ =	shalt  }
0x43: {  	_ =	shalt  }
0x44: {  	_ =	shalt  }
0x45: {  	_ =	shalt  }
0x46: {  	_ =	shalt  }
0x47: {  	_ =	shalt  }
0x48: {  	_ =	shalt  }
0x49: {  	_ =	shalt  }
0x4a: {  	_ =	shalt  }
0x4b: {  	_ =	shalt  }
0x4c: {  	_ =	shalt  }
0x4d: {  	_ =	shalt  }
0x4e: {  	_ =	shalt  }
0x4f: {  	_ =	shalt  }
0x50: {  	_ =	shalt  }
0x51: {  	_ =	shalt  }
0x52: {  	_ =	shalt  }
0x53: {  	_ =	shalt  }
0x54: {  	_ =	shalt  }
0x55: {  	_ =	shalt  }
0x56: {  	_ =	shalt  }
0x57: {  	_ =	shalt  }
0x58: {  	_ =	shalt  }
0x59: {  	_ =	shalt  }
0x5a: {  	_ =	shalt  }
0x5b: {  	_ =	shalt  }
0x5c: {  	_ =	shalt  }
0x5d: {  	_ =	shalt  }
0x5e: {  	_ =	shalt  }
0x5f: {  	_ =	shalt  }
0x60: {  	_ =	shalt  }
0x61: {  	_ =	shalt  }
0x62: {  	_ =	shalt  }
0x63: {  	_ =	shalt  }
0x64: {  	_ =	shalt  }
0x65: {  	_ =	shalt  }
0x66: {  	_ =	shalt  }
0x67: {  	_ =	shalt  }
0x68: {  	_ =	shalt  }
0x69: {  	_ =	shalt  }
0x6a: {  	_ =	shalt  }
0x6b: {  	_ =	shalt  }
0x6c: {  	_ =	shalt  }
0x6d: {  	_ =	shalt  }
0x6e: {  	_ =	shalt  }
0x6f: {  	_ =	shalt  }
0x70: {  	_ =	shalt  }
0x71: {  	_ =	shalt  }
0x72: {  	_ =	shalt  }
0x73: {  	_ =	shalt  }
0x74: {  	_ =	shalt  }
0x75: {  	_ =	shalt  }
0x76: {  	_ =	shalt  }
0x77: {  	_ =	shalt  }
0x78: {  	_ =	shalt  }
0x79: {  	_ =	shalt  }
0x7a: {  	_ =	shalt  }
0x7b: {  	_ =	shalt  }
0x7c: {  	_ =	shalt  }
0x7d: {  	_ =	shalt  }
0x7e: {  	_ =	shalt  }
0x7f: {  	_ =	shalt  }
0x80: {  	_ =	shalt  }
0x81: {  	_ =	shalt  }
0x82: {  	_ =	shalt  }
0x83: {  	_ =	shalt  }
0x84: {  	_ =	shalt  }
0x85: {  	_ =	shalt  }
0x86: {  	_ =	shalt  }
0x87: {  	_ =	shalt  }
.Lfunc_end0:
.L_simem_size_0:
called_computation.3_lowered:
.L_overlay_start_0:
0x88: {  	s2 =	sld [smem:$0x3FD9]  }
0x89: {  	s3 =	sld [smem:$0x3FFE];
	_ =	sdelay $0x1  }
0x8a: {  	s1 =	srdreg.scid  }
0x8b: {  	s0 =	sand.u32 $0x1, s1  }
0x8c: {  	s16 =	sshll.u32 s0, $0xA;
	s2 =	sadd.s32 s3, s2  }
0x8d: {  	s2 =	sadd.s32 s2, s16  }
0x8e: {  	[smem:$0x3FC4] =	sst s2  }
0x8f: {  	_ = 	snop  }
0x90: {  	(tm) =	ssettm $0x1  }
0x91: {  	s17 =	sld [smem:$0x3FFB];
	_ =	sdelay $0x3  }
0x92: {  	_ =	strace s17  }
0x93: {  	s2 =	sld [smem:$0x3FFC];
	_ =	sdelay $0x3  }
0x94: {  	_ =	strace s2  }
0x95: {  	s2 =	sld [smem:$0x3FFD];
	_ =	sdelay $0x3  }
0x96: {  	_ =	strace s2  }
0x97: {  	_ =	strace $0x8FFFFFFF  }
0x98: {  	s18 =	sld [smem:$0x3FDB];
	_ =	sdelay $0x1  }
0x99: {  	s19 =	simm.s32 $_scs_section_size  }
0x9a: {  	s4 =	simm.s32 $_size__tile_overlayer_lowered;
	s5 =	simm.s32 $_tile_overlayer_lowered  }
0x9b: {  	s22 =	simm.s32 $0x1BFF;
	s21 =	sshll.u32 s5, $0x1;
	s2 =	sadd.s32 s19, s18  }
0x9c: {  	s6 =	simm.s32 $0x0;
	s20 =	sshll.u32 s4, $0x1;
	s4 =	sadd.s32 s21, s2  }
0x9d: {  	[timem:s6], [sflag:s22] =	dma.local [hbm:s4], s20  }
0x9e: {  	_ =	swait.ge [sflag:s22], s20  }
0x9f: {  	s3 =	ssub.s32 $0x0, s20;
	[sflag:s22] =	ssyncset.done $0x0  }
0xa0: {  	[sflag:s22] =	ssyncadd.s32 s3;
	_ =	sdelay $0x1  }
0xa1: {  	s23 =	simm.s32 $0x1B8B  }
0xa2: {  	_ =	swait.ge [sflag:s23], $0x1  }
0xa3: {  	[sflag:s23] =	ssyncset.done $0x0  }
0xa4: {  	s25 =	simm.s32 $0x1B8E;
	s24 =	sld [smem:$0x3FFE];
	[sflag:s23] =	ssyncadd.s32 $0xFFFFFFFF  }
0xa5: {  	s26 =	simm.s32 $execute0_lowered;
	[smem:$0x3FD2] =	sst s25  }
0xa6: {  	s4 =	sshll.u32 s26, $0x1;
	_ =	strace $0x8000004C;
	[dreg:$0x1] =	wrdreg $0xFFFFFFFF  }
0xa7: {  	s28 =	simm.s32 $_size_execute0_lowered;
	s2 =	sadd.s32 s2, s4;
	[dreg:$0x0] =	wrdreg $0x0  }
0xa8: {  	s4 =	sshll.u32 s28, $0x1;
	[dreg:$0x2] =	wrdreg s2  }
0xa9: {  	[dreg:$0x3] =	wrdreg s4  }
0xaa: {  	[dreg:$0x4] =	wrdreg $0xC0  }
0xab: {  	_ =	task [dreg:s6], $0x5FFFF  }
0xac: {  	[dreg:$0x1] =	wrdreg $0xFFFFFFFF  }
0xad: {  	[dreg:$0x0] =	wrdreg $0x60  }
0xae: {  	[dreg:$0x2] =	wrdreg s24  }
0xaf: {  	[dreg:$0x3] =	wrdreg $0xA  }
0xb0: {  	_ =	task.clear_ibuf [dreg:s6], $0x4FFFF;
	_ =	strace $0x9000004C  }
0xb1: {  	s29 =	simm.s32 $0xA;
	_ =	strace $0x8000004E  }
0xb2: {  	_ =	swait.ge [sflag:s29], $0x1  }
0xb3: {  	[sflag:s29] =	ssyncadd.s32 $0xFFFFFFFF  }
0xb4: {  	_ =	strace $0x9000004E  }
0xb5: {  	_ =	sfence  }
0xb6: {  	s30 =	sld [smem:$0x0];
	_ =	sdelay $0x2  }
0xb7: {  	s31 =	sshll.u32 s1, $0xD;
	s1 =	sshrl.u32 s1, $0x2  }
0xb8: {  	s3 =	sand.u32 $0x4000, s31;
	s1 =	sadd.s32 s1, s30  }
0xb9: {  	s0 =	sor.u32 s3, s0;
	s1 =	sshll.u32 s1, $0x11  }
0xba: {  	s0 =	sor.u32 s1, s0  }
0xbb: {  	s0 =	sadd.s32 $0x8F2B, s0  }
0xbc: {  	[sflag:s0] =	ssyncadd.remote.s32 $0x1  }
0xbd: {  	_ =	sfence.sel $0xFFFF  }
0xbe: {  	[dreg:$0x0] =	wrdreg $0xFFFFFFFF;
	(pc) =	sbr.abs _section_cstart, $3  }
0xbf: {  	[dreg:$0x1] =	wrdreg $0xFFFFFFFF  }
0xc0: {  	_ =	task.clear_ibuf [dreg:s6], $0x2FFFF;
	_ =	strace $0x9FFFFFFF  }
0xc1: {  	(tm) =	ssettm $0x7FFFFFFF  }
tec
execute0_lowered:
.L_overlay_start_1:
0x0: {  	(tag) =	ssettag $0x1  }
0x1: {  	s0 =	srdreg.scid;
	s5 =	rddreg [dreg:$0x0]  }
0x2: {  	s1 =	stileid.u32;
	s6 =	simm.s32 $0x1;
	s9 =	simm.s32 $0x1  }
0x3: {  	s10 =	simm.s32 $0x3;
	s13 =	simm.s32 $0x0;
	s2 =	sshll.u32 s0, $0x9  }
0x4: {  	s12 =	simm.s32 $0x0;
	s3 =	sshll.u32 s1, $0xA;
	s2 =	sand.u32 $0x200, s2  }
0x5: {  	s0 =	rddreg [dreg:$0x1];
	_ =	strace $0x8000004D;
	s2 =	sor.u32 s3, s2  }
0x6: {  	s4 =	sadd.s32 $0x5600, s5;
	[sflag:s6] =	ssyncpa.u1 $0x0;
	s8 =	ssub.s32 $0x8000, s2  }
.Ltmp0:
0x7: {  	s3 =	sadd.s32 $0x2600, s5;
	s7 =	sand.u32 $0x3E00, s8;
	(pc) =	sbr.rel .LBB2_1-.Ltmp0, $4  }
0x8: {  	s5 =	sadd.s32 $0xE00, s5;
	s11 =	smov.u32 s2;
	p0 =	sne.s32 s7, $0x0  }
0x9: {  	s8 =	sshrl.u32 s8, $0xE;
	s7 =	simm.s32 $0x2;
	s9 =	simm.s32 @!p0 $0x0  }
0xa: {  	[sflag:s7] =	ssyncpa.u1 $0x0;
	p0 =	por $0x0, $0x0;
	s8 =	sadd.s32 s9, s8  }
0xb: {  	vm0 =	vmmov $0xffff;
	[sflag:s10] =	ssyncpa.u1 $0x0;
	s10 =	simm.s32 $0x0;
	s9 =	sadd.s32 $0x1, s8  }
.LBB2_4:
0xc: {  	v2 =	vnsel vm1, $0x0, v2  }
0xd: {  	vm1 =	vgt.s32 v0, $0x0;
	v2 =	vmin.u32 v2, $0x7FFF  }
0xe: {  	v0 =	vnsel vm1, $0x0, v0  }
0xf: {  	v0 =	vmin.u32 v0, $0x7FFF  }
0x10: {  	[tilespmem:s15], [sflag:$0x1] =	stream.indirect_vreg.gather [hbm4b:s3+s10], $0x1, v1, vm0, $0x4038;
	[tilespmem:$0x800] =	vst v63  }
0x11: {  	(ifvalue) =	ssetifvalue $0x7FFFFFFF  }
0x12: {  	[tilespmem:s16], [sflag:$0x1] =	stream.indirect_vreg.gather [hbm4b:s3+s10], $0x1, v2, vm0, $0x4038;
	[tilespmem:$0x800] =	vst v63  }
0x13: {  	s29 =	sadd.s32 $0x10, s16;
	(ifvalue) =	ssetifvalue $0x7FFFFFFF  }
0x14: {  	[tilespmem:s29], [sflag:$0x1] =	stream.indirect_vreg.gather [hbm4b:s3+s10], $0x1, v0, vm0, $0x4038;
	[tilespmem:$0x800] =	vst v63  }
0x15: {  	_ =	swait.ge [sflag:s6], $0x200  }
0x16: {  	s30 =	sshrl.u32 s13, $0x3;
	[sflag:s6] =	ssyncset.done $0x0  }
0x17: {  	s31 =	sand.u32 $0x7, s13;
	s15 =	sadd.s32 s5, s30;
	[sflag:s6] =	ssyncadd.s32 $0xFFFFFE00  }
0x18: {  	[hbm4b:s15+s31] =	stream.linear.scatter [tilespmem:s14], [sflag:$0x3], $0x200, $0x38;
	[tilespmem:$0x800] =	vst v63  }
.LBB2_5:
0x19: {  	s15 =	sadd.s32 $0x4000, s11  }
0x1a: {  	p2 =	sgt.s32 s15, $0x7FFF  }
0x1b: {  	s15 =	smov.u32 @p2 s2;
	p2 =	sne.s32 s12, s9  }
.Ltmp1:
0x1c: {  	p1 =	slt.u32 s12, $0x2;
	(pc) =	sbr.rel @!p2 .LBB2_6-.Ltmp1, $4  }
0x1d: {  	s14 =	simm.s32 @!p1 $0x3  }
0x1e: {  	s16 =	sadd.s32 $0x1, s12;
	_ =	swait.ge @!p1 [sflag:s14], $0x200  }
0x1f: {  	s13 =	smov.u32 s11;
	p0 =	por !p0, !p0;
	[sflag:s14] =	ssyncset.done @!p1 $0x0  }
0x20: {  	s12 =	smov.u32 s16;
	s11 =	smov.u32 s15;
	[sflag:s14] =	ssyncadd.s32 @!p1 $0xFFFFFE00  }
.LBB2_1:
0x21: {  	p1 =	sge.u32 s12, s8  }
0x22: {  	s14 =	sxor.u32 @!p1 $0xFFFFFFFF, s12  }
0x23: {  	s31 =	sadd.s32 $0xFFFFFFFF, s12;
	s15 =	sshrl.u32 @!p1 s11, $0x3;
	s14 =	sshll.u32 @!p1 s14, $0x9  }
0x24: {  	s16 =	sand.u32 @!p1 $0x7, s11;
	s15 =	sadd.s32 @!p1 s4, s15;
	s14 =	sand.u32 @!p1 $0x200, s14  }
0x25: {  	[tilespmem:s14], [sflag:$0x2] =	stream.linear.gather @!p1 [hbm4b:s15+s16], $0x200, $0x38;
	[tilespmem:$0x800] =	vst v63  }
0x26: {  	p1 =	sge.u32 s31, s8  }
.Ltmp2:
0x27: {  	_ = 	snop;
	(pc) =	sbr.rel @p1 .LBB2_5-.Ltmp2, $1  }
0x28: {  	_ =	sdelay $0x3  }
0x29: {  	s14 =	simm.s32 $0x1  }
0x2a: {  	_ =	swait.ge [sflag:s7], $0x200;
	s14 =	simm.s32 @!p0 $0x0  }
0x2b: {  	[sflag:s7] =	ssyncset.done $0x0;
	s14 =	sshll.u32 s14, $0x9  }
0x2c: {  	[sflag:s7] =	ssyncadd.s32 $0xFFFFFE00;
	(ifvalue) =	ssetifvalue $0x7FFFFFFF;
	v0 =	vld.msk [tilespmem:s14+$0x0 ss:$0x1], $0xffff;
	_ =	sdelay $0x4  }
0x2d: {  	s15 =	sadd.s32 $0x10, s14;
	vm1 =	vgt.s32 v0, $0x0  }
0x2e: {  	v2 =	vld.msk [tilespmem:s15+$0x0 ss:$0x1], $0xffff;
	v1 =	vnsel vm1, $0x0, v0  }
0x2f: {  	v1 =	vmin.u32 v1, $0x7FFF;
	_ =	sdelay $0x1  }
0x30: {  	s16 =	sshll.u32 s12, $0x9;
	s18 =	simm.s32 $0x20  }
0x31: {  	s16 =	sand.u32 $0x200, s16;
	s17 =	sadd.s32 $0x10, s15;
	s15 =	sor.u32 $0x400, s14  }
0x32: {  	s14 =	sor.u32 $0x400, s16;
	s16 =	sadd.s32 $0x10, s15;
	v0 =	vld.msk [tilespmem:s17+$0x0 ss:$0x1], $0xffff;
	vm1 =	vgt.s32 v2, $0x0;
	(ifvalue) =	ssetifvalue $0x7FFFFFFF  }
.LBB2_3:
0x33: {  	[tilespmem:s15], [sflag:$0x1] =	stream.indirect_vreg.gather [hbm4b:s3+s10], $0x1, v1, vm0, $0x4038;
	[tilespmem:$0x800] =	vst v63  }
0x34: {  	s18 =	sadd.s32 $0x10, s18  }
0x35: {  	v2 =	vnsel vm1, $0x0, v2;
	p1 =	slt.u32 s18, $0x1F0  }
.Ltmp3:
0x36: {  	s15 =	smov.u32 s16;
	v1 =	vmin.u32 v2, $0x7FFF;
	(pc) =	sbr.rel @p1 .LBB2_3-.Ltmp3, $3  }
0x37: {  	_ =	sdelay $0x1  }
0x38: {  	s17 =	sadd.s32 $0x10, s17  }
0x39: {  	vm1 =	vgt.s32 v0, $0x0;
	s16 =	sadd.s32 $0x10, s16;
	v2 =	vmov v0;
	(ifvalue) =	ssetifvalue $0x7FFFFFFF;
	v0 =	vld.msk [tilespmem:s17+$0x0 ss:$0x1], $0xffff  }
.Ltmp4:
0x3a: {  	_ = 	snop;
	(pc) =	sbr.rel .LBB2_4-.Ltmp4, $1  }
0x3b: {  	_ =	sdelay $0x3  }
.LBB2_6:
0x3c: {  	_ =	sfence.sel $0x180000  }
0x3d: {  	s2 =	simm.s32 $0x2;
	[bflag:$0x0] =	sbarrier.arrive $0xFFFF  }
0x3e: {  	s30 =	simm.s32 $0x3;
	[sflag:s2] =	ssyncpa.u1 $0x1  }
0x3f: {  	s31 =	simm.s32 $0x1;
	[sflag:s30] =	ssyncpa.u1 $0x1  }
0x40: {  	[sflag:s31] =	ssyncpa.u1 $0x1  }
0x41: {  	p0 =	sne.s32 s1, $0x0;
	_ =	strace $0x9000004D  }
0x42: {  	s0 =	sadd.s32 @!p0 $0x100000, s0;
	[bflag:$0x2] =	sbarrier.arrive $0xFFFF  }
0x43: {  	[sflag:s0] =	ssyncadd.tile.s32 @!p0 $0x1;
	_ =	shalt  }
.Lfunc_end2:
_tile_overlayer_lowered:
.L_overlay_start_2:
0x44: {  	(tag) =	ssettag $0x2  }
0x45: {  	s0 =	rddreg [dreg:$0x0];
	s2 =	stileid.u32  }
0x46: {  	s1 =	rddreg [dreg:$0x1];
	p0 =	sne.s32 s2, $0x0  }
0x47: {  	s3 =	rddreg [dreg:$0x2];
	[bflag:$0x3] =	sbarrier.arrive $0xFFFF;
	s2 =	simm.s32 @!p0 $0x1C01  }
0x48: {  	[timem:s3], [sflag:s2] =	dma.local @!p0 [hbm:s0], s1  }
0x49: {  	s0 =	simm.s32 @!p0 $0x1  }
0x4a: {  	_ =	swait.ge @!p0 [sflag:s0], s1  }
0x4b: {  	s1 =	ssub.s32 @!p0 $0x0, s1;
	[sflag:s0] =	ssyncset.done @!p0 $0x0  }
0x4c: {  	[sflag:s0] =	ssyncadd.s32 @!p0 s1  }
0x4d: {  	[bflag:$0x3] =	sbarrier.arrive $0xFFFF  }
0x4e: {  	_ =	shalt  }

// kernel: gather_offload_async_start.2
scs
__scs_entry_jumppad:
0x0: {  	(pc) =	sbr.rel $0x88, $3  }
0x1: {  	(tag) =	ssettag $0x0;
	lr =	simm.s32 $0x1  }
0x2: {  	[smem:$0x3F9D] =	sst lr;
	_ =	strace $0xD0000000  }
0x3: {  	_ = 	snop  }
0x4: {  	_ = 	snop  }
0x5: {  	_ = 	snop  }
0x6: {  	_ = 	snop  }
0x7: {  	_ = 	snop  }
__scs_overlays_trampoline_lowered:
0x8: {  	[smem:$0x3FAC] =	sst s0  }
0x9: {  	[smem:$0x3FAD] =	sst s1  }
0xa: {  	[smem:$0x3FAE] =	sst s2  }
0xb: {  	[smem:$0x3FAF] =	sst s3  }
0xc: {  	[smem:$0x3FB0] =	sst s4  }
0xd: {  	[smem:$0x3FB1] =	sst s5  }
0xe: {  	[smem:$0x3FB2] =	sst s6  }
0xf: {  	[smem:$0x3FB3] =	sst s7  }
0x10: {  	[smem:$0x3FB4] =	sst s8  }
0x11: {  	[smem:$0x3FB5] =	sst s9;
	s0 =	simm.s32 @!p0 $0x0  }
0x12: {  	s1 =	sld [smem:$0x3F9B];
	s0 =	simm.s32 @p0 $0x1  }
0x13: {  	[smem:$0x3FB6] =	sst s0;
	s0 =	simm.s32 @!p1 $0x0  }
0x14: {  	s2 =	sld [smem:$0x3F9A];
	s0 =	simm.s32 @p1 $0x1  }
0x15: {  	[smem:$0x3FB7] =	sst s0;
	s0 =	simm.s32 @!p2 $0x0  }
0x16: {  	s3 =	sld [smem:$0x3FDB];
	s0 =	simm.s32 @p2 $0x1  }
0x17: {  	s4 =	simm.s32 $0x1BF5;
	[smem:$0x3FB9] =	sst s0  }
0x18: {  	s0 =	sld [smem:$0x3F9C];
	_ =	swait.ge [sflag:s4], $0x0  }
0x19: {  	s7 =	sld [smem:$0x3F9D]  }
0x1a: {  	s8 =	sadd.s32 $0xFFFFE003, lr  }
0x1b: {  	s9 =	sadd.s32 $0xFFFFFEF7, lr;
	s5 =	simm.s32 $0xFFFFFFFF;
	p2 =	slt.u32 s8, $0xFFFFF086  }
0x1c: {  	p1 =	slt.u32 s9, $0xF7A;
	s5 =	simm.s32 @!p2 $0x0  }
0x1d: {  	s5 =	simm.s32 @p1 $0x1;
	p0 =	seq.s32 s7, s2  }
0x1e: {  	s7 =	smul.u32 @!p0 $0xF7A, s2;
	p2 =	seq.s32 @!p0 s5, $0x0  }
0x1f: {  	s9 =	smul.u32 $0xF7A, s1;
	s8 =	simm.s32 @!p0 $0x1BF5;
	p2 =	por !p2, p0  }
0x20: {  	[sflag:s8] =	ssyncset.s32 @!p0 $0xFFFFF086;
	s6 =	sadd.s32 @!p0 s3, s7;
	s7 =	simm.s32 @!p0 $0x108  }
0x21: {  	s3 =	sadd.s32 s3, s9;
	s6 =	sadd.s32 @!p0 $0x88, s6;
	s7 =	simm.s32 @p2 $0x1082  }
0x22: {  	[simem:s7], [sflag:s8] =	dma.local @!p0 [hbm:s6], $0xF7A  }
0x23: {  	s9 =	sor.u32 $0xD0000000, s2;
	s6 =	simm.s32 $0x108;
	_ =	swait.ge @!p0 [sflag:s8], $0x0  }
0x24: {  	s3 =	sadd.s32 $0x88, s3;
	s6 =	simm.s32 @!p1 $0x1082;
	[sflag:s4] =	ssyncset.s32 $0xFFFFF086  }
0x25: {  	[simem:s6], [sflag:s4] =	dma.local [hbm:s3], $0xF7A  }
0x26: {  	[smem:$0x3F9D] =	sst s1;
	(tag) =	ssettag s2;
	_ =	strace s9  }
0x27: {  	s1 =	sld [smem:$0x3FAD]  }
0x28: {  	s2 =	sld [smem:$0x3FAE]  }
0x29: {  	s4 =	sld [smem:$0x3FB0]  }
0x2a: {  	p0 =	seq.s32 s5, $0x0;
	s5 =	sld [smem:$0x3FB1]  }
0x2b: {  	s6 =	sld [smem:$0x3FB2]  }
0x2c: {  	s7 =	sld [smem:$0x3FB3]  }
0x2d: {  	s3 =	simm.s32 $0x108;
	s8 =	sld [smem:$0x3FB4]  }
0x2e: {  	s3 =	simm.s32 @!p0 $0x1082;
	s9 =	sld [smem:$0x3FB5]  }
0x2f: {  	lr =	sadd.s32 s0, s3;
	s0 =	sld [smem:$0x3FAC]  }
0x30: {  	s3 =	sld [smem:$0x3FAF]  }
0x31: {  	[smem:$0x3FB8] =	sst s10  }
0x32: {  	s10 =	sld [smem:$0x3FB6];
	_ =	sdelay $0x3  }
0x33: {  	p0 =	seq.s32 s10, $0x1;
	s10 =	sld [smem:$0x3FB8];
	_ =	sdelay $0x3  }
0x34: {  	[smem:$0x3FB8] =	sst s10  }
0x35: {  	s10 =	sld [smem:$0x3FB7];
	_ =	sdelay $0x3  }
0x36: {  	p1 =	seq.s32 s10, $0x1;
	s10 =	sld [smem:$0x3FB8];
	_ =	sdelay $0x3  }
0x37: {  	[smem:$0x3FB8] =	sst s10  }
0x38: {  	s10 =	sld [smem:$0x3FB9]  }
0x39: {  	_ = 	snop;
	(pc) =	sbr.ind lr, $3  }
0x3a: {  	_ = 	snop  }
0x3b: {  	_ = 	snop  }
0x3c: {  	p2 =	seq.s32 s10, $0x1;
	s10 =	sld [smem:$0x3FB8]  }
0x3d: {  	_ =	shalt  }
0x3e: {  	_ =	shalt  }
0x3f: {  	_ =	shalt  }
0x40: {  	_ =	shalt  }
0x41: {  	_ =	shalt  }
0x42: {  	_ =	shalt  }
0x43: {  	_ =	shalt  }
0x44: {  	_ =	shalt  }
0x45: {  	_ =	shalt  }
0x46: {  	_ =	shalt  }
0x47: {  	_ =	shalt  }
0x48: {  	_ =	shalt  }
0x49: {  	_ =	shalt  }
0x4a: {  	_ =	shalt  }
0x4b: {  	_ =	shalt  }
0x4c: {  	_ =	shalt  }
0x4d: {  	_ =	shalt  }
0x4e: {  	_ =	shalt  }
0x4f: {  	_ =	shalt  }
0x50: {  	_ =	shalt  }
0x51: {  	_ =	shalt  }
0x52: {  	_ =	shalt  }
0x53: {  	_ =	shalt  }
0x54: {  	_ =	shalt  }
0x55: {  	_ =	shalt  }
0x56: {  	_ =	shalt  }
0x57: {  	_ =	shalt  }
0x58: {  	_ =	shalt  }
0x59: {  	_ =	shalt  }
0x5a: {  	_ =	shalt  }
0x5b: {  	_ =	shalt  }
0x5c: {  	_ =	shalt  }
0x5d: {  	_ =	shalt  }
0x5e: {  	_ =	shalt  }
0x5f: {  	_ =	shalt  }
0x60: {  	_ =	shalt  }
0x61: {  	_ =	shalt  }
0x62: {  	_ =	shalt  }
0x63: {  	_ =	shalt  }
0x64: {  	_ =	shalt  }
0x65: {  	_ =	shalt  }
0x66: {  	_ =	shalt  }
0x67: {  	_ =	shalt  }
0x68: {  	_ =	shalt  }
0x69: {  	_ =	shalt  }
0x6a: {  	_ =	shalt  }
0x6b: {  	_ =	shalt  }
0x6c: {  	_ =	shalt  }
0x6d: {  	_ =	shalt  }
0x6e: {  	_ =	shalt  }
0x6f: {  	_ =	shalt  }
0x70: {  	_ =	shalt  }
0x71: {  	_ =	shalt  }
0x72: {  	_ =	shalt  }
0x73: {  	_ =	shalt  }
0x74: {  	_ =	shalt  }
0x75: {  	_ =	shalt  }
0x76: {  	_ =	shalt  }
0x77: {  	_ =	shalt  }
0x78: {  	_ =	shalt  }
0x79: {  	_ =	shalt  }
0x7a: {  	_ =	shalt  }
0x7b: {  	_ =	shalt  }
0x7c: {  	_ =	shalt  }
0x7d: {  	_ =	shalt  }
0x7e: {  	_ =	shalt  }
0x7f: {  	_ =	shalt  }
0x80: {  	_ =	shalt  }
0x81: {  	_ =	shalt  }
0x82: {  	_ =	shalt  }
0x83: {  	_ =	shalt  }
0x84: {  	_ =	shalt  }
0x85: {  	_ =	shalt  }
0x86: {  	_ =	shalt  }
0x87: {  	_ =	shalt  }
.Lfunc_end0:
.L_simem_size_0:
called_computation.4_lowered:
.L_overlay_start_0:
0x88: {  	s2 =	sld [smem:$0x3FD9]  }
0x89: {  	s3 =	sld [smem:$0x3FFE];
	_ =	sdelay $0x1  }
0x8a: {  	s1 =	srdreg.scid  }
0x8b: {  	s0 =	sand.u32 $0x1, s1  }
0x8c: {  	s16 =	sshll.u32 s0, $0xA;
	s2 =	sadd.s32 s3, s2  }
0x8d: {  	s2 =	sadd.s32 s2, s16  }
0x8e: {  	[smem:$0x3FC4] =	sst s2  }
0x8f: {  	_ = 	snop  }
0x90: {  	(tm) =	ssettm $0x1  }
0x91: {  	s17 =	sld [smem:$0x3FFB];
	_ =	sdelay $0x3  }
0x92: {  	_ =	strace s17  }
0x93: {  	s2 =	sld [smem:$0x3FFC];
	_ =	sdelay $0x3  }
0x94: {  	_ =	strace s2  }
0x95: {  	s2 =	sld [smem:$0x3FFD];
	_ =	sdelay $0x3  }
0x96: {  	_ =	strace s2  }
0x97: {  	_ =	strace $0x8FFFFFFF  }
0x98: {  	s18 =	sld [smem:$0x3FDB];
	_ =	sdelay $0x1  }
0x99: {  	s19 =	simm.s32 $_scs_section_size  }
0x9a: {  	s4 =	simm.s32 $_size__tile_overlayer_lowered;
	s5 =	simm.s32 $_tile_overlayer_lowered  }
0x9b: {  	s22 =	simm.s32 $0x1BFF;
	s21 =	sshll.u32 s5, $0x1;
	s2 =	sadd.s32 s19, s18  }
0x9c: {  	s6 =	simm.s32 $0x0;
	s20 =	sshll.u32 s4, $0x1;
	s4 =	sadd.s32 s21, s2  }
0x9d: {  	[timem:s6], [sflag:s22] =	dma.local [hbm:s4], s20  }
0x9e: {  	_ =	swait.ge [sflag:s22], s20  }
0x9f: {  	s3 =	ssub.s32 $0x0, s20;
	[sflag:s22] =	ssyncset.done $0x0  }
0xa0: {  	[sflag:s22] =	ssyncadd.s32 s3;
	_ =	sdelay $0x1  }
0xa1: {  	s23 =	simm.s32 $0x1B8B  }
0xa2: {  	_ =	swait.ge [sflag:s23], $0x1  }
0xa3: {  	[sflag:s23] =	ssyncset.done $0x0  }
0xa4: {  	s25 =	simm.s32 $0x1B8E;
	s24 =	sld [smem:$0x3FFE];
	[sflag:s23] =	ssyncadd.s32 $0xFFFFFFFF  }
0xa5: {  	s26 =	simm.s32 $execute0_lowered;
	[smem:$0x3FD2] =	sst s25  }
0xa6: {  	s4 =	sshll.u32 s26, $0x1;
	_ =	strace $0x80000049;
	[dreg:$0x1] =	wrdreg $0xFFFFFFFF  }
0xa7: {  	s28 =	simm.s32 $_size_execute0_lowered;
	s2 =	sadd.s32 s2, s4;
	[dreg:$0x0] =	wrdreg $0x0  }
0xa8: {  	s4 =	sshll.u32 s28, $0x1;
	[dreg:$0x2] =	wrdreg s2  }
0xa9: {  	[dreg:$0x3] =	wrdreg s4  }
0xaa: {  	[dreg:$0x4] =	wrdreg $0xC0  }
0xab: {  	_ =	task [dreg:s6], $0x5FFFF  }
0xac: {  	[dreg:$0x1] =	wrdreg $0xFFFFFFFF  }
0xad: {  	[dreg:$0x0] =	wrdreg $0x60  }
0xae: {  	[dreg:$0x2] =	wrdreg s24  }
0xaf: {  	[dreg:$0x3] =	wrdreg $0x9  }
0xb0: {  	_ =	task.clear_ibuf [dreg:s6], $0x4FFFF;
	_ =	strace $0x90000049  }
0xb1: {  	s29 =	simm.s32 $0x9;
	_ =	strace $0x8000004B  }
0xb2: {  	_ =	swait.ge [sflag:s29], $0x1  }
0xb3: {  	[sflag:s29] =	ssyncadd.s32 $0xFFFFFFFF  }
0xb4: {  	_ =	strace $0x9000004B  }
0xb5: {  	_ =	sfence  }
0xb6: {  	s30 =	sld [smem:$0x0];
	_ =	sdelay $0x2  }
0xb7: {  	s31 =	sshll.u32 s1, $0xD;
	s1 =	sshrl.u32 s1, $0x2  }
0xb8: {  	s3 =	sand.u32 $0x4000, s31;
	s1 =	sadd.s32 s1, s30  }
0xb9: {  	s0 =	sor.u32 s3, s0;
	s1 =	sshll.u32 s1, $0x11  }
0xba: {  	s0 =	sor.u32 s1, s0  }
0xbb: {  	s0 =	sadd.s32 $0x8F2B, s0  }
0xbc: {  	[sflag:s0] =	ssyncadd.remote.s32 $0x1  }
0xbd: {  	_ =	sfence.sel $0xFFFF  }
0xbe: {  	[dreg:$0x0] =	wrdreg $0xFFFFFFFF;
	(pc) =	sbr.abs _section_cstart, $3  }
0xbf: {  	[dreg:$0x1] =	wrdreg $0xFFFFFFFF  }
0xc0: {  	_ =	task.clear_ibuf [dreg:s6], $0x2FFFF;
	_ =	strace $0x9FFFFFFF  }
0xc1: {  	(tm) =	ssettm $0x7FFFFFFF  }
tec
execute0_lowered:
.L_overlay_start_1:
0x0: {  	(tag) =	ssettag $0x1  }
0x1: {  	s0 =	srdreg.scid;
	s5 =	rddreg [dreg:$0x0]  }
0x2: {  	s1 =	stileid.u32;
	s6 =	simm.s32 $0x1;
	s9 =	simm.s32 $0x1  }
0x3: {  	s10 =	simm.s32 $0x3;
	s13 =	simm.s32 $0x0;
	s2 =	sshll.u32 s0, $0x9  }
0x4: {  	s12 =	simm.s32 $0x0;
	s3 =	sshll.u32 s1, $0xA;
	s2 =	sand.u32 $0x200, s2  }
0x5: {  	s0 =	rddreg [dreg:$0x1];
	_ =	strace $0x8000004A;
	s2 =	sor.u32 s3, s2  }
0x6: {  	s4 =	sadd.s32 $0x5600, s5;
	[sflag:s6] =	ssyncpa.u1 $0x0;
	s8 =	ssub.s32 $0x8000, s2  }
.Ltmp0:
0x7: {  	s3 =	sadd.s32 $0xE00, s5;
	s7 =	sand.u32 $0x3E00, s8;
	(pc) =	sbr.rel .LBB2_1-.Ltmp0, $4  }
0x8: {  	s5 =	sadd.s32 $0x6600, s5;
	s11 =	smov.u32 s2;
	p0 =	sne.s32 s7, $0x0  }
0x9: {  	s8 =	sshrl.u32 s8, $0xE;
	s7 =	simm.s32 $0x2;
	s9 =	simm.s32 @!p0 $0x0  }
0xa: {  	[sflag:s7] =	ssyncpa.u1 $0x0;
	p0 =	por $0x0, $0x0;
	s8 =	sadd.s32 s9, s8  }
0xb: {  	vm0 =	vmmov $0xffff;
	[sflag:s10] =	ssyncpa.u1 $0x0;
	s10 =	simm.s32 $0x0;
	s9 =	sadd.s32 $0x1, s8  }
.LBB2_4:
0xc: {  	v2 =	vnsel vm1, $0x0, v2  }
0xd: {  	vm1 =	vgt.s32 v0, $0x0;
	v2 =	vmin.u32 v2, $0x7FFF  }
0xe: {  	v0 =	vnsel vm1, $0x0, v0  }
0xf: {  	v0 =	vmin.u32 v0, $0x7FFF  }
0x10: {  	[tilespmem:s15], [sflag:$0x1] =	stream.indirect_vreg.gather [hbm4b:s3+s10], $0x1, v1, vm0, $0x4038;
	[tilespmem:$0x800] =	vst v63  }
0x11: {  	(ifvalue) =	ssetifvalue $0x7FFFFFFF  }
0x12: {  	[tilespmem:s16], [sflag:$0x1] =	stream.indirect_vreg.gather [hbm4b:s3+s10], $0x1, v2, vm0, $0x4038;
	[tilespmem:$0x800] =	vst v63  }
0x13: {  	s29 =	sadd.s32 $0x10, s16;
	(ifvalue) =	ssetifvalue $0x7FFFFFFF  }
0x14: {  	[tilespmem:s29], [sflag:$0x1] =	stream.indirect_vreg.gather [hbm4b:s3+s10], $0x1, v0, vm0, $0x4038;
	[tilespmem:$0x800] =	vst v63  }
0x15: {  	_ =	swait.ge [sflag:s6], $0x200  }
0x16: {  	s30 =	sshrl.u32 s13, $0x3;
	[sflag:s6] =	ssyncset.done $0x0  }
0x17: {  	s31 =	sand.u32 $0x7, s13;
	s15 =	sadd.s32 s5, s30;
	[sflag:s6] =	ssyncadd.s32 $0xFFFFFE00  }
0x18: {  	[hbm4b:s15+s31] =	stream.linear.scatter [tilespmem:s14], [sflag:$0x3], $0x200, $0x38;
	[tilespmem:$0x800] =	vst v63  }
.LBB2_5:
0x19: {  	s15 =	sadd.s32 $0x4000, s11  }
0x1a: {  	p2 =	sgt.s32 s15, $0x7FFF  }
0x1b: {  	s15 =	smov.u32 @p2 s2;
	p2 =	sne.s32 s12, s9  }
.Ltmp1:
0x1c: {  	p1 =	slt.u32 s12, $0x2;
	(pc) =	sbr.rel @!p2 .LBB2_6-.Ltmp1, $4  }
0x1d: {  	s14 =	simm.s32 @!p1 $0x3  }
0x1e: {  	s16 =	sadd.s32 $0x1, s12;
	_ =	swait.ge @!p1 [sflag:s14], $0x200  }
0x1f: {  	s13 =	smov.u32 s11;
	p0 =	por !p0, !p0;
	[sflag:s14] =	ssyncset.done @!p1 $0x0  }
0x20: {  	s12 =	smov.u32 s16;
	s11 =	smov.u32 s15;
	[sflag:s14] =	ssyncadd.s32 @!p1 $0xFFFFFE00  }
.LBB2_1:
0x21: {  	p1 =	sge.u32 s12, s8  }
0x22: {  	s14 =	sxor.u32 @!p1 $0xFFFFFFFF, s12  }
0x23: {  	s31 =	sadd.s32 $0xFFFFFFFF, s12;
	s15 =	sshrl.u32 @!p1 s11, $0x3;
	s14 =	sshll.u32 @!p1 s14, $0x9  }
0x24: {  	s16 =	sand.u32 @!p1 $0x7, s11;
	s15 =	sadd.s32 @!p1 s4, s15;
	s14 =	sand.u32 @!p1 $0x200, s14  }
0x25: {  	[tilespmem:s14], [sflag:$0x2] =	stream.linear.gather @!p1 [hbm4b:s15+s16], $0x200, $0x38;
	[tilespmem:$0x800] =	vst v63  }
0x26: {  	p1 =	sge.u32 s31, s8  }
.Ltmp2:
0x27: {  	_ = 	snop;
	(pc) =	sbr.rel @p1 .LBB2_5-.Ltmp2, $1  }
0x28: {  	_ =	sdelay $0x3  }
0x29: {  	s14 =	simm.s32 $0x1  }
0x2a: {  	_ =	swait.ge [sflag:s7], $0x200;
	s14 =	simm.s32 @!p0 $0x0  }
0x2b: {  	[sflag:s7] =	ssyncset.done $0x0;
	s14 =	sshll.u32 s14, $0x9  }
0x2c: {  	[sflag:s7] =	ssyncadd.s32 $0xFFFFFE00;
	(ifvalue) =	ssetifvalue $0x7FFFFFFF;
	v0 =	vld.msk [tilespmem:s14+$0x0 ss:$0x1], $0xffff;
	_ =	sdelay $0x4  }
0x2d: {  	s15 =	sadd.s32 $0x10, s14;
	vm1 =	vgt.s32 v0, $0x0  }
0x2e: {  	v2 =	vld.msk [tilespmem:s15+$0x0 ss:$0x1], $0xffff;
	v1 =	vnsel vm1, $0x0, v0  }
0x2f: {  	v1 =	vmin.u32 v1, $0x7FFF;
	_ =	sdelay $0x1  }
0x30: {  	s16 =	sshll.u32 s12, $0x9;
	s18 =	simm.s32 $0x20  }
0x31: {  	s16 =	sand.u32 $0x200, s16;
	s17 =	sadd.s32 $0x10, s15;
	s15 =	sor.u32 $0x400, s14  }
0x32: {  	s14 =	sor.u32 $0x400, s16;
	s16 =	sadd.s32 $0x10, s15;
	v0 =	vld.msk [tilespmem:s17+$0x0 ss:$0x1], $0xffff;
	vm1 =	vgt.s32 v2, $0x0;
	(ifvalue) =	ssetifvalue $0x7FFFFFFF  }
.LBB2_3:
0x33: {  	[tilespmem:s15], [sflag:$0x1] =	stream.indirect_vreg.gather [hbm4b:s3+s10], $0x1, v1, vm0, $0x4038;
	[tilespmem:$0x800] =	vst v63  }
0x34: {  	s18 =	sadd.s32 $0x10, s18  }
0x35: {  	v2 =	vnsel vm1, $0x0, v2;
	p1 =	slt.u32 s18, $0x1F0  }
.Ltmp3:
0x36: {  	s15 =	smov.u32 s16;
	v1 =	vmin.u32 v2, $0x7FFF;
	(pc) =	sbr.rel @p1 .LBB2_3-.Ltmp3, $3  }
0x37: {  	_ =	sdelay $0x1  }
0x38: {  	s17 =	sadd.s32 $0x10, s17  }
0x39: {  	vm1 =	vgt.s32 v0, $0x0;
	s16 =	sadd.s32 $0x10, s16;
	v2 =	vmov v0;
	(ifvalue) =	ssetifvalue $0x7FFFFFFF;
	v0 =	vld.msk [tilespmem:s17+$0x0 ss:$0x1], $0xffff  }
.Ltmp4:
0x3a: {  	_ = 	snop;
	(pc) =	sbr.rel .LBB2_4-.Ltmp4, $1  }
0x3b: {  	_ =	sdelay $0x3  }
.LBB2_6:
0x3c: {  	_ =	sfence.sel $0x180000  }
0x3d: {  	s2 =	simm.s32 $0x2;
	[bflag:$0x0] =	sbarrier.arrive $0xFFFF  }
0x3e: {  	s30 =	simm.s32 $0x3;
	[sflag:s2] =	ssyncpa.u1 $0x1  }
0x3f: {  	s31 =	simm.s32 $0x1;
	[sflag:s30] =	ssyncpa.u1 $0x1  }
0x40: {  	[sflag:s31] =	ssyncpa.u1 $0x1  }
0x41: {  	p0 =	sne.s32 s1, $0x0;
	_ =	strace $0x9000004A  }
0x42: {  	s0 =	sadd.s32 @!p0 $0x100000, s0;
	[bflag:$0x2] =	sbarrier.arrive $0xFFFF  }
0x43: {  	[sflag:s0] =	ssyncadd.tile.s32 @!p0 $0x1;
	_ =	shalt  }
.Lfunc_end2:
_tile_overlayer_lowered:
.L_overlay_start_2:
0x44: {  	(tag) =	ssettag $0x2  }
0x45: {  	s0 =	rddreg [dreg:$0x0];
	s2 =	stileid.u32  }
0x46: {  	s1 =	rddreg [dreg:$0x1];
	p0 =	sne.s32 s2, $0x0  }
0x47: {  	s3 =	rddreg [dreg:$0x2];
	[bflag:$0x3] =	sbarrier.arrive $0xFFFF;
	s2 =	simm.s32 @!p0 $0x1C01  }
0x48: {  	[timem:s3], [sflag:s2] =	dma.local @!p0 [hbm:s0], s1  }
0x49: {  	s0 =	simm.s32 @!p0 $0x1  }
0x4a: {  	_ =	swait.ge @!p0 [sflag:s0], s1  }
0x4b: {  	s1 =	ssub.s32 @!p0 $0x0, s1;
	[sflag:s0] =	ssyncset.done @!p0 $0x0  }
0x4c: {  	[sflag:s0] =	ssyncadd.s32 @!p0 s1  }
0x4d: {  	[bflag:$0x3] =	sbarrier.arrive $0xFFFF  }
0x4e: {  	_ =	shalt  }

// kernel: gather_offload_async_start
scs
__scs_entry_jumppad:
0x0: {  	(pc) =	sbr.rel $0x88, $3  }
0x1: {  	(tag) =	ssettag $0x0;
	lr =	simm.s32 $0x1  }
0x2: {  	[smem:$0x3F9D] =	sst lr;
	_ =	strace $0xD0000000  }
0x3: {  	_ = 	snop  }
0x4: {  	_ = 	snop  }
0x5: {  	_ = 	snop  }
0x6: {  	_ = 	snop  }
0x7: {  	_ = 	snop  }
__scs_overlays_trampoline_lowered:
0x8: {  	[smem:$0x3FAC] =	sst s0  }
0x9: {  	[smem:$0x3FAD] =	sst s1  }
0xa: {  	[smem:$0x3FAE] =	sst s2  }
0xb: {  	[smem:$0x3FAF] =	sst s3  }
0xc: {  	[smem:$0x3FB0] =	sst s4  }
0xd: {  	[smem:$0x3FB1] =	sst s5  }
0xe: {  	[smem:$0x3FB2] =	sst s6  }
0xf: {  	[smem:$0x3FB3] =	sst s7  }
0x10: {  	[smem:$0x3FB4] =	sst s8  }
0x11: {  	[smem:$0x3FB5] =	sst s9;
	s0 =	simm.s32 @!p0 $0x0  }
0x12: {  	s1 =	sld [smem:$0x3F9B];
	s0 =	simm.s32 @p0 $0x1  }
0x13: {  	[smem:$0x3FB6] =	sst s0;
	s0 =	simm.s32 @!p1 $0x0  }
0x14: {  	s2 =	sld [smem:$0x3F9A];
	s0 =	simm.s32 @p1 $0x1  }
0x15: {  	[smem:$0x3FB7] =	sst s0;
	s0 =	simm.s32 @!p2 $0x0  }
0x16: {  	s3 =	sld [smem:$0x3FDB];
	s0 =	simm.s32 @p2 $0x1  }
0x17: {  	s4 =	simm.s32 $0x1BF5;
	[smem:$0x3FB9] =	sst s0  }
0x18: {  	s0 =	sld [smem:$0x3F9C];
	_ =	swait.ge [sflag:s4], $0x0  }
0x19: {  	s7 =	sld [smem:$0x3F9D]  }
0x1a: {  	s8 =	sadd.s32 $0xFFFFE003, lr  }
0x1b: {  	s9 =	sadd.s32 $0xFFFFFEF7, lr;
	s5 =	simm.s32 $0xFFFFFFFF;
	p2 =	slt.u32 s8, $0xFFFFF086  }
0x1c: {  	p1 =	slt.u32 s9, $0xF7A;
	s5 =	simm.s32 @!p2 $0x0  }
0x1d: {  	s5 =	simm.s32 @p1 $0x1;
	p0 =	seq.s32 s7, s2  }
0x1e: {  	s7 =	smul.u32 @!p0 $0xF7A, s2;
	p2 =	seq.s32 @!p0 s5, $0x0  }
0x1f: {  	s9 =	smul.u32 $0xF7A, s1;
	s8 =	simm.s32 @!p0 $0x1BF5;
	p2 =	por !p2, p0  }
0x20: {  	[sflag:s8] =	ssyncset.s32 @!p0 $0xFFFFF086;
	s6 =	sadd.s32 @!p0 s3, s7;
	s7 =	simm.s32 @!p0 $0x108  }
0x21: {  	s3 =	sadd.s32 s3, s9;
	s6 =	sadd.s32 @!p0 $0x88, s6;
	s7 =	simm.s32 @p2 $0x1082  }
0x22: {  	[simem:s7], [sflag:s8] =	dma.local @!p0 [hbm:s6], $0xF7A  }
0x23: {  	s9 =	sor.u32 $0xD0000000, s2;
	s6 =	simm.s32 $0x108;
	_ =	swait.ge @!p0 [sflag:s8], $0x0  }
0x24: {  	s3 =	sadd.s32 $0x88, s3;
	s6 =	simm.s32 @!p1 $0x1082;
	[sflag:s4] =	ssyncset.s32 $0xFFFFF086  }
0x25: {  	[simem:s6], [sflag:s4] =	dma.local [hbm:s3], $0xF7A  }
0x26: {  	[smem:$0x3F9D] =	sst s1;
	(tag) =	ssettag s2;
	_ =	strace s9  }
0x27: {  	s1 =	sld [smem:$0x3FAD]  }
0x28: {  	s2 =	sld [smem:$0x3FAE]  }
0x29: {  	s4 =	sld [smem:$0x3FB0]  }
0x2a: {  	p0 =	seq.s32 s5, $0x0;
	s5 =	sld [smem:$0x3FB1]  }
0x2b: {  	s6 =	sld [smem:$0x3FB2]  }
0x2c: {  	s7 =	sld [smem:$0x3FB3]  }
0x2d: {  	s3 =	simm.s32 $0x108;
	s8 =	sld [smem:$0x3FB4]  }
0x2e: {  	s3 =	simm.s32 @!p0 $0x1082;
	s9 =	sld [smem:$0x3FB5]  }
0x2f: {  	lr =	sadd.s32 s0, s3;
	s0 =	sld [smem:$0x3FAC]  }
0x30: {  	s3 =	sld [smem:$0x3FAF]  }
0x31: {  	[smem:$0x3FB8] =	sst s10  }
0x32: {  	s10 =	sld [smem:$0x3FB6];
	_ =	sdelay $0x3  }
0x33: {  	p0 =	seq.s32 s10, $0x1;
	s10 =	sld [smem:$0x3FB8];
	_ =	sdelay $0x3  }
0x34: {  	[smem:$0x3FB8] =	sst s10  }
0x35: {  	s10 =	sld [smem:$0x3FB7];
	_ =	sdelay $0x3  }
0x36: {  	p1 =	seq.s32 s10, $0x1;
	s10 =	sld [smem:$0x3FB8];
	_ =	sdelay $0x3  }
0x37: {  	[smem:$0x3FB8] =	sst s10  }
0x38: {  	s10 =	sld [smem:$0x3FB9]  }
0x39: {  	_ = 	snop;
	(pc) =	sbr.ind lr, $3  }
0x3a: {  	_ = 	snop  }
0x3b: {  	_ = 	snop  }
0x3c: {  	p2 =	seq.s32 s10, $0x1;
	s10 =	sld [smem:$0x3FB8]  }
0x3d: {  	_ =	shalt  }
0x3e: {  	_ =	shalt  }
0x3f: {  	_ =	shalt  }
0x40: {  	_ =	shalt  }
0x41: {  	_ =	shalt  }
0x42: {  	_ =	shalt  }
0x43: {  	_ =	shalt  }
0x44: {  	_ =	shalt  }
0x45: {  	_ =	shalt  }
0x46: {  	_ =	shalt  }
0x47: {  	_ =	shalt  }
0x48: {  	_ =	shalt  }
0x49: {  	_ =	shalt  }
0x4a: {  	_ =	shalt  }
0x4b: {  	_ =	shalt  }
0x4c: {  	_ =	shalt  }
0x4d: {  	_ =	shalt  }
0x4e: {  	_ =	shalt  }
0x4f: {  	_ =	shalt  }
0x50: {  	_ =	shalt  }
0x51: {  	_ =	shalt  }
0x52: {  	_ =	shalt  }
0x53: {  	_ =	shalt  }
0x54: {  	_ =	shalt  }
0x55: {  	_ =	shalt  }
0x56: {  	_ =	shalt  }
0x57: {  	_ =	shalt  }
0x58: {  	_ =	shalt  }
0x59: {  	_ =	shalt  }
0x5a: {  	_ =	shalt  }
0x5b: {  	_ =	shalt  }
0x5c: {  	_ =	shalt  }
0x5d: {  	_ =	shalt  }
0x5e: {  	_ =	shalt  }
0x5f: {  	_ =	shalt  }
0x60: {  	_ =	shalt  }
0x61: {  	_ =	shalt  }
0x62: {  	_ =	shalt  }
0x63: {  	_ =	shalt  }
0x64: {  	_ =	shalt  }
0x65: {  	_ =	shalt  }
0x66: {  	_ =	shalt  }
0x67: {  	_ =	shalt  }
0x68: {  	_ =	shalt  }
0x69: {  	_ =	shalt  }
0x6a: {  	_ =	shalt  }
0x6b: {  	_ =	shalt  }
0x6c: {  	_ =	shalt  }
0x6d: {  	_ =	shalt  }
0x6e: {  	_ =	shalt  }
0x6f: {  	_ =	shalt  }
0x70: {  	_ =	shalt  }
0x71: {  	_ =	shalt  }
0x72: {  	_ =	shalt  }
0x73: {  	_ =	shalt  }
0x74: {  	_ =	shalt  }
0x75: {  	_ =	shalt  }
0x76: {  	_ =	shalt  }
0x77: {  	_ =	shalt  }
0x78: {  	_ =	shalt  }
0x79: {  	_ =	shalt  }
0x7a: {  	_ =	shalt  }
0x7b: {  	_ =	shalt  }
0x7c: {  	_ =	shalt  }
0x7d: {  	_ =	shalt  }
0x7e: {  	_ =	shalt  }
0x7f: {  	_ =	shalt  }
0x80: {  	_ =	shalt  }
0x81: {  	_ =	shalt  }
0x82: {  	_ =	shalt  }
0x83: {  	_ =	shalt  }
0x84: {  	_ =	shalt  }
0x85: {  	_ =	shalt  }
0x86: {  	_ =	shalt  }
0x87: {  	_ =	shalt  }
.Lfunc_end0:
.L_simem_size_0:
called_computation.2_lowered:
.L_overlay_start_0:
0x88: {  	s2 =	sld [smem:$0x3FD9]  }
0x89: {  	s3 =	sld [smem:$0x3FFE];
	_ =	sdelay $0x1  }
0x8a: {  	s1 =	srdreg.scid  }
0x8b: {  	s0 =	sand.u32 $0x1, s1  }
0x8c: {  	s17 =	sshll.u32 s0, $0xA;
	s2 =	sadd.s32 s3, s2  }
0x8d: {  	s2 =	sadd.s32 s2, s17  }
0x8e: {  	[smem:$0x3FC4] =	sst s2  }
0x8f: {  	_ = 	snop  }
0x90: {  	(tm) =	ssettm $0x1  }
0x91: {  	s18 =	sld [smem:$0x3FFB];
	_ =	sdelay $0x3  }
0x92: {  	_ =	strace s18  }
0x93: {  	s2 =	sld [smem:$0x3FFC];
	_ =	sdelay $0x3  }
0x94: {  	_ =	strace s2  }
0x95: {  	s2 =	sld [smem:$0x3FFD];
	_ =	sdelay $0x3  }
0x96: {  	_ =	strace s2  }
0x97: {  	_ =	strace $0x8FFFFFFF  }
0x98: {  	s19 =	sld [smem:$0x3FDB];
	_ =	sdelay $0x1  }
0x99: {  	s20 =	simm.s32 $_scs_section_size  }
0x9a: {  	s4 =	simm.s32 $_size__tile_overlayer_lowered;
	s5 =	simm.s32 $_tile_overlayer_lowered  }
0x9b: {  	s6 =	simm.s32 $0x1BFF;
	s21 =	sshll.u32 s5, $0x1;
	s3 =	sadd.s32 s20, s19  }
0x9c: {  	s22 =	simm.s32 $0x0;
	s4 =	sshll.u32 s4, $0x1;
	s5 =	sadd.s32 s21, s3  }
0x9d: {  	[timem:s22], [sflag:s6] =	dma.local [hbm:s5], s4  }
0x9e: {  	_ =	swait.ge [sflag:s6], s4  }
0x9f: {  	s4 =	ssub.s32 $0x0, s4;
	[sflag:s6] =	ssyncset.done $0x0  }
0xa0: {  	[sflag:s6] =	ssyncadd.s32 s4;
	_ =	sdelay $0x1  }
0xa1: {  	s23 =	simm.s32 $0x1B8B  }
0xa2: {  	_ =	swait.ge [sflag:s23], $0x1  }
0xa3: {  	[sflag:s23] =	ssyncset.done $0x0  }
0xa4: {  	[sflag:s23] =	ssyncadd.s32 $0xFFFFFFFF  }
0xa5: {  	s4 =	sld [smem:$0x0]  }
0xa6: {  	s5 =	sand.u32 $0xFFFFFFFE, s1  }
0xa7: {  	p0 =	sne.s32 s1, s5  }
0xa8: {  	s5 =	sshll.u32 @p0 s5, $0xE  }
0xa9: {  	s5 =	sadd.s32 @p0 $0x11B8D, s5;
	s6 =	sshll.u32 @p0 s4, $0x11  }
0xaa: {  	s5 =	sor.u32 @p0 s6, s5  }
0xab: {  	[sflag:s5] =	ssyncadd.remote.s32 @p0 $0x1;
	_ =	sdelay $0x1  }
0xac: {  	s5 =	simm.s32 @p0 $0x1B8D  }
0xad: {  	_ =	swait.eq @p0 [sflag:s5], $0x1  }
0xae: {  	[sflag:s5] =	ssyncadd.s32 @p0 $0xFFFFFFFF  }
0xaf: {  	s6 =	sshll.u32 @!p0 s1, $0xE  }
0xb0: {  	s6 =	sor.u32 @!p0 $0x4000, s6;
	s5 =	simm.s32 @!p0 $0x1B8D  }
0xb1: {  	s4 =	sshll.u32 @!p0 s4, $0x11;
	s6 =	sadd.s32 @!p0 $0x11B8D, s6;
	_ =	swait.eq @!p0 [sflag:s5], $0x1  }
0xb2: {  	s4 =	sor.u32 @!p0 s4, s6;
	[sflag:s5] =	ssyncadd.s32 @!p0 $0xFFFFFFFF  }
0xb3: {  	s25 =	simm.s32 $0x1B8E;
	s24 =	sld [smem:$0x3FFE];
	[sflag:s4] =	ssyncadd.remote.s32 @!p0 $0x1  }
0xb4: {  	s26 =	simm.s32 $execute0_lowered;
	[smem:$0x3FD2] =	sst s25  }
0xb5: {  	s5 =	sshll.u32 s26, $0x1;
	_ =	strace $0x8000004F;
	[dreg:$0x1] =	wrdreg $0xFFFFFFFF  }
0xb6: {  	s28 =	simm.s32 $_size_execute0_lowered;
	s3 =	sadd.s32 s3, s5;
	[dreg:$0x0] =	wrdreg $0x0  }
0xb7: {  	s5 =	sshll.u32 s28, $0x1;
	[dreg:$0x2] =	wrdreg s3  }
0xb8: {  	[dreg:$0x3] =	wrdreg s5  }
0xb9: {  	[dreg:$0x4] =	wrdreg $0xC0  }
0xba: {  	_ =	task [dreg:s22], $0x5FFFF  }
0xbb: {  	[dreg:$0x1] =	wrdreg $0xFFFFFFFF  }
0xbc: {  	[dreg:$0x0] =	wrdreg $0x60  }
0xbd: {  	[dreg:$0x2] =	wrdreg s24  }
0xbe: {  	[dreg:$0x3] =	wrdreg $0x9  }
0xbf: {  	_ =	task.clear_ibuf [dreg:s22], $0x4FFFF;
	_ =	strace $0x9000004F  }
0xc0: {  	s29 =	simm.s32 $0x9;
	_ =	strace $0x80000051  }
0xc1: {  	_ =	swait.ge [sflag:s29], $0x1  }
0xc2: {  	[sflag:s29] =	ssyncadd.s32 $0xFFFFFFFF  }
0xc3: {  	_ =	strace $0x90000051  }
0xc4: {  	_ =	sfence  }
0xc5: {  	s30 =	sld [smem:$0x0];
	_ =	sdelay $0x2  }
0xc6: {  	s31 =	sshll.u32 s1, $0xD;
	s1 =	sshrl.u32 s1, $0x2  }
0xc7: {  	s4 =	sand.u32 $0x4000, s31;
	s1 =	sadd.s32 s1, s30  }
0xc8: {  	s0 =	sor.u32 s4, s0;
	s1 =	sshll.u32 s1, $0x11  }
0xc9: {  	s0 =	sor.u32 s1, s0  }
0xca: {  	s0 =	sadd.s32 $0x8F2B, s0  }
0xcb: {  	[sflag:s0] =	ssyncadd.remote.s32 $0x1  }
0xcc: {  	_ =	sfence.sel $0xFFFF  }
0xcd: {  	[dreg:$0x0] =	wrdreg $0xFFFFFFFF;
	(pc) =	sbr.abs _section_cstart, $3  }
0xce: {  	[dreg:$0x1] =	wrdreg $0xFFFFFFFF  }
0xcf: {  	_ =	task.clear_ibuf [dreg:s22], $0x2FFFF;
	_ =	strace $0x9FFFFFFF  }
0xd0: {  	(tm) =	ssettm $0x7FFFFFFF  }
0xd1: {  	_ =	shalt  }
tec
execute0_lowered:
.L_overlay_start_1:
0x0: {  	(tag) =	ssettag $0x1  }
0x1: {  	s0 =	srdreg.scid;
	s5 =	rddreg [dreg:$0x0]  }
0x2: {  	s1 =	stileid.u32;
	s6 =	simm.s32 $0x1;
	s9 =	simm.s32 $0x1  }
0x3: {  	s10 =	simm.s32 $0x3;
	s13 =	simm.s32 $0x0;
	s2 =	sshll.u32 s0, $0x9  }
0x4: {  	s12 =	simm.s32 $0x0;
	s3 =	sshll.u32 s1, $0xA;
	s2 =	sand.u32 $0x200, s2  }
0x5: {  	s0 =	rddreg [dreg:$0x1];
	_ =	strace $0x80000050;
	s2 =	sor.u32 s3, s2  }
0x6: {  	s4 =	sadd.s32 $0x5600, s5;
	[sflag:s6] =	ssyncpa.u1 $0x0;
	s8 =	ssub.s32 $0x8000, s2  }
.Ltmp0:
0x7: {  	s3 =	sadd.s32 $0x3600, s5;
	s7 =	sand.u32 $0x3E00, s8;
	(pc) =	sbr.rel .LBB2_1-.Ltmp0, $4  }
0x8: {  	s5 =	sadd.s32 $0x6600, s5;
	s11 =	smov.u32 s2;
	p0 =	sne.s32 s7, $0x0  }
0x9: {  	s8 =	sshrl.u32 s8, $0xE;
	s7 =	simm.s32 $0x2;
	s9 =	simm.s32 @!p0 $0x0  }
0xa: {  	[sflag:s7] =	ssyncpa.u1 $0x0;
	p0 =	por $0x0, $0x0;
	s8 =	sadd.s32 s9, s8  }
0xb: {  	vm0 =	vmmov $0xffff;
	[sflag:s10] =	ssyncpa.u1 $0x0;
	s10 =	simm.s32 $0x0;
	s9 =	sadd.s32 $0x1, s8  }
.LBB2_4:
0xc: {  	v2 =	vnsel vm1, $0x0, v2  }
0xd: {  	vm1 =	vgt.s32 v0, $0x0;
	v2 =	vmin.u32 v2, $0x7FFF  }
0xe: {  	v0 =	vnsel vm1, $0x0, v0  }
0xf: {  	v0 =	vmin.u32 v0, $0x7FFF  }
0x10: {  	[tilespmem:s15], [sflag:$0x1] =	stream.indirect_vreg.gather [hbm4b:s3+s10], $0x1, v1, vm0, $0x4038;
	[tilespmem:$0x800] =	vst v63  }
0x11: {  	(ifvalue) =	ssetifvalue $0x7FFFFFFF  }
0x12: {  	[tilespmem:s16], [sflag:$0x1] =	stream.indirect_vreg.gather [hbm4b:s3+s10], $0x1, v2, vm0, $0x4038;
	[tilespmem:$0x800] =	vst v63  }
0x13: {  	s29 =	sadd.s32 $0x10, s16;
	(ifvalue) =	ssetifvalue $0x7FFFFFFF  }
0x14: {  	[tilespmem:s29], [sflag:$0x1] =	stream.indirect_vreg.gather [hbm4b:s3+s10], $0x1, v0, vm0, $0x4038;
	[tilespmem:$0x800] =	vst v63  }
0x15: {  	_ =	swait.ge [sflag:s6], $0x200  }
0x16: {  	s30 =	sshrl.u32 s13, $0x3;
	[sflag:s6] =	ssyncset.done $0x0  }
0x17: {  	s31 =	sand.u32 $0x7, s13;
	s15 =	sadd.s32 s5, s30;
	[sflag:s6] =	ssyncadd.s32 $0xFFFFFE00  }
0x18: {  	[hbm4b:s15+s31] =	stream.linear.scatter [tilespmem:s14], [sflag:$0x3], $0x200, $0x38;
	[tilespmem:$0x800] =	vst v63  }
.LBB2_5:
0x19: {  	s15 =	sadd.s32 $0x4000, s11  }
0x1a: {  	p2 =	sgt.s32 s15, $0x7FFF  }
0x1b: {  	s15 =	smov.u32 @p2 s2;
	p2 =	sne.s32 s12, s9  }
.Ltmp1:
0x1c: {  	p1 =	slt.u32 s12, $0x2;
	(pc) =	sbr.rel @!p2 .LBB2_6-.Ltmp1, $4  }
0x1d: {  	s14 =	simm.s32 @!p1 $0x3  }
0x1e: {  	s16 =	sadd.s32 $0x1, s12;
	_ =	swait.ge @!p1 [sflag:s14], $0x200  }
0x1f: {  	s13 =	smov.u32 s11;
	p0 =	por !p0, !p0;
	[sflag:s14] =	ssyncset.done @!p1 $0x0  }
0x20: {  	s12 =	smov.u32 s16;
	s11 =	smov.u32 s15;
	[sflag:s14] =	ssyncadd.s32 @!p1 $0xFFFFFE00  }
.LBB2_1:
0x21: {  	p1 =	sge.u32 s12, s8  }
0x22: {  	s14 =	sxor.u32 @!p1 $0xFFFFFFFF, s12  }
0x23: {  	s31 =	sadd.s32 $0xFFFFFFFF, s12;
	s15 =	sshrl.u32 @!p1 s11, $0x3;
	s14 =	sshll.u32 @!p1 s14, $0x9  }
0x24: {  	s16 =	sand.u32 @!p1 $0x7, s11;
	s15 =	sadd.s32 @!p1 s4, s15;
	s14 =	sand.u32 @!p1 $0x200, s14  }
0x25: {  	[tilespmem:s14], [sflag:$0x2] =	stream.linear.gather @!p1 [hbm4b:s15+s16], $0x200, $0x38;
	[tilespmem:$0x800] =	vst v63  }
0x26: {  	p1 =	sge.u32 s31, s8  }
.Ltmp2:
0x27: {  	_ = 	snop;
	(pc) =	sbr.rel @p1 .LBB2_5-.Ltmp2, $1  }
0x28: {  	_ =	sdelay $0x3  }
0x29: {  	s14 =	simm.s32 $0x1  }
0x2a: {  	_ =	swait.ge [sflag:s7], $0x200;
	s14 =	simm.s32 @!p0 $0x0  }
0x2b: {  	[sflag:s7] =	ssyncset.done $0x0;
	s14 =	sshll.u32 s14, $0x9  }
0x2c: {  	[sflag:s7] =	ssyncadd.s32 $0xFFFFFE00;
	(ifvalue) =	ssetifvalue $0x7FFFFFFF;
	v0 =	vld.msk [tilespmem:s14+$0x0 ss:$0x1], $0xffff;
	_ =	sdelay $0x4  }
0x2d: {  	s15 =	sadd.s32 $0x10, s14;
	vm1 =	vgt.s32 v0, $0x0  }
0x2e: {  	v2 =	vld.msk [tilespmem:s15+$0x0 ss:$0x1], $0xffff;
	v1 =	vnsel vm1, $0x0, v0  }
0x2f: {  	v1 =	vmin.u32 v1, $0x7FFF;
	_ =	sdelay $0x1  }
0x30: {  	s16 =	sshll.u32 s12, $0x9;
	s18 =	simm.s32 $0x20  }
0x31: {  	s16 =	sand.u32 $0x200, s16;
	s17 =	sadd.s32 $0x10, s15;
	s15 =	sor.u32 $0x400, s14  }
0x32: {  	s14 =	sor.u32 $0x400, s16;
	s16 =	sadd.s32 $0x10, s15;
	v0 =	vld.msk [tilespmem:s17+$0x0 ss:$0x1], $0xffff;
	vm1 =	vgt.s32 v2, $0x0;
	(ifvalue) =	ssetifvalue $0x7FFFFFFF  }
.LBB2_3:
0x33: {  	[tilespmem:s15], [sflag:$0x1] =	stream.indirect_vreg.gather [hbm4b:s3+s10], $0x1, v1, vm0, $0x4038;
	[tilespmem:$0x800] =	vst v63  }
0x34: {  	s18 =	sadd.s32 $0x10, s18  }
0x35: {  	v2 =	vnsel vm1, $0x0, v2;
	p1 =	slt.u32 s18, $0x1F0  }
.Ltmp3:
0x36: {  	s15 =	smov.u32 s16;
	v1 =	vmin.u32 v2, $0x7FFF;
	(pc) =	sbr.rel @p1 .LBB2_3-.Ltmp3, $3  }
0x37: {  	_ =	sdelay $0x1  }
0x38: {  	s17 =	sadd.s32 $0x10, s17  }
0x39: {  	vm1 =	vgt.s32 v0, $0x0;
	s16 =	sadd.s32 $0x10, s16;
	v2 =	vmov v0;
	(ifvalue) =	ssetifvalue $0x7FFFFFFF;
	v0 =	vld.msk [tilespmem:s17+$0x0 ss:$0x1], $0xffff  }
.Ltmp4:
0x3a: {  	_ = 	snop;
	(pc) =	sbr.rel .LBB2_4-.Ltmp4, $1  }
0x3b: {  	_ =	sdelay $0x3  }
.LBB2_6:
0x3c: {  	_ =	sfence.sel $0x180000  }
0x3d: {  	s2 =	simm.s32 $0x2;
	[bflag:$0x0] =	sbarrier.arrive $0xFFFF  }
0x3e: {  	s30 =	simm.s32 $0x3;
	[sflag:s2] =	ssyncpa.u1 $0x1  }
0x3f: {  	s31 =	simm.s32 $0x1;
	[sflag:s30] =	ssyncpa.u1 $0x1  }
0x40: {  	[sflag:s31] =	ssyncpa.u1 $0x1  }
0x41: {  	p0 =	sne.s32 s1, $0x0;
	_ =	strace $0x90000050  }
0x42: {  	s0 =	sadd.s32 @!p0 $0x100000, s0;
	[bflag:$0x2] =	sbarrier.arrive $0xFFFF  }
0x43: {  	[sflag:s0] =	ssyncadd.tile.s32 @!p0 $0x1;
	_ =	shalt  }
.Lfunc_end2:
_tile_overlayer_lowered:
.L_overlay_start_2:
0x44: {  	(tag) =	ssettag $0x2  }
0x45: {  	s0 =	rddreg [dreg:$0x0];
	s2 =	stileid.u32  }
0x46: {  	s1 =	rddreg [dreg:$0x1];
	p0 =	sne.s32 s2, $0x0  }
0x47: {  	s3 =	rddreg [dreg:$0x2];
	[bflag:$0x3] =	sbarrier.arrive $0xFFFF;
	s2 =	simm.s32 @!p0 $0x1C01  }
0x48: {  	[timem:s3], [sflag:s2] =	dma.local @!p0 [hbm:s0], s1  }
0x49: {  	s0 =	simm.s32 @!p0 $0x1  }
0x4a: {  	_ =	swait.ge @!p0 [sflag:s0], s1  }
0x4b: {  	s1 =	ssub.s32 @!p0 $0x0, s1;
	[sflag:s0] =	ssyncset.done @!p0 $0x0  }
0x4c: {  	[sflag:s0] =	ssyncadd.s32 @!p0 s1  }
0x4d: {  	[bflag:$0x3] =	sbarrier.arrive $0xFFFF  }
0x4e: {  	_ =	shalt  }

// kernel: scatter_offload_async_start
scs
__scs_entry_jumppad:
0x0: {  	(pc) =	sbr.rel $0x88, $3  }
0x1: {  	(tag) =	ssettag $0x0;
	lr =	simm.s32 $0x1  }
0x2: {  	[smem:$0x3F9D] =	sst lr;
	_ =	strace $0xD0000000  }
0x3: {  	_ = 	snop  }
0x4: {  	_ = 	snop  }
0x5: {  	_ = 	snop  }
0x6: {  	_ = 	snop  }
0x7: {  	_ = 	snop  }
__scs_overlays_trampoline_lowered:
0x8: {  	[smem:$0x3FAC] =	sst s0  }
0x9: {  	[smem:$0x3FAD] =	sst s1  }
0xa: {  	[smem:$0x3FAE] =	sst s2  }
0xb: {  	[smem:$0x3FAF] =	sst s3  }
0xc: {  	[smem:$0x3FB0] =	sst s4  }
0xd: {  	[smem:$0x3FB1] =	sst s5  }
0xe: {  	[smem:$0x3FB2] =	sst s6  }
0xf: {  	[smem:$0x3FB3] =	sst s7  }
0x10: {  	[smem:$0x3FB4] =	sst s8  }
0x11: {  	[smem:$0x3FB5] =	sst s9;
	s0 =	simm.s32 @!p0 $0x0  }
0x12: {  	s1 =	sld [smem:$0x3F9B];
	s0 =	simm.s32 @p0 $0x1  }
0x13: {  	[smem:$0x3FB6] =	sst s0;
	s0 =	simm.s32 @!p1 $0x0  }
0x14: {  	s2 =	sld [smem:$0x3F9A];
	s0 =	simm.s32 @p1 $0x1  }
0x15: {  	[smem:$0x3FB7] =	sst s0;
	s0 =	simm.s32 @!p2 $0x0  }
0x16: {  	s3 =	sld [smem:$0x3FDB];
	s0 =	simm.s32 @p2 $0x1  }
0x17: {  	s4 =	simm.s32 $0x1BF5;
	[smem:$0x3FB9] =	sst s0  }
0x18: {  	s0 =	sld [smem:$0x3F9C];
	_ =	swait.ge [sflag:s4], $0x0  }
0x19: {  	s7 =	sld [smem:$0x3F9D]  }
0x1a: {  	s8 =	sadd.s32 $0xFFFFE003, lr  }
0x1b: {  	s9 =	sadd.s32 $0xFFFFFEF7, lr;
	s5 =	simm.s32 $0xFFFFFFFF;
	p2 =	slt.u32 s8, $0xFFFFF086  }
0x1c: {  	p1 =	slt.u32 s9, $0xF7A;
	s5 =	simm.s32 @!p2 $0x0  }
0x1d: {  	s5 =	simm.s32 @p1 $0x1;
	p0 =	seq.s32 s7, s2  }
0x1e: {  	s7 =	smul.u32 @!p0 $0xF7A, s2;
	p2 =	seq.s32 @!p0 s5, $0x0  }
0x1f: {  	s9 =	smul.u32 $0xF7A, s1;
	s8 =	simm.s32 @!p0 $0x1BF5;
	p2 =	por !p2, p0  }
0x20: {  	[sflag:s8] =	ssyncset.s32 @!p0 $0xFFFFF086;
	s6 =	sadd.s32 @!p0 s3, s7;
	s7 =	simm.s32 @!p0 $0x108  }
0x21: {  	s3 =	sadd.s32 s3, s9;
	s6 =	sadd.s32 @!p0 $0x88, s6;
	s7 =	simm.s32 @p2 $0x1082  }
0x22: {  	[simem:s7], [sflag:s8] =	dma.local @!p0 [hbm:s6], $0xF7A  }
0x23: {  	s9 =	sor.u32 $0xD0000000, s2;
	s6 =	simm.s32 $0x108;
	_ =	swait.ge @!p0 [sflag:s8], $0x0  }
0x24: {  	s3 =	sadd.s32 $0x88, s3;
	s6 =	simm.s32 @!p1 $0x1082;
	[sflag:s4] =	ssyncset.s32 $0xFFFFF086  }
0x25: {  	[simem:s6], [sflag:s4] =	dma.local [hbm:s3], $0xF7A  }
0x26: {  	[smem:$0x3F9D] =	sst s1;
	(tag) =	ssettag s2;
	_ =	strace s9  }
0x27: {  	s1 =	sld [smem:$0x3FAD]  }
0x28: {  	s2 =	sld [smem:$0x3FAE]  }
0x29: {  	s4 =	sld [smem:$0x3FB0]  }
0x2a: {  	p0 =	seq.s32 s5, $0x0;
	s5 =	sld [smem:$0x3FB1]  }
0x2b: {  	s6 =	sld [smem:$0x3FB2]  }
0x2c: {  	s7 =	sld [smem:$0x3FB3]  }
0x2d: {  	s3 =	simm.s32 $0x108;
	s8 =	sld [smem:$0x3FB4]  }
0x2e: {  	s3 =	simm.s32 @!p0 $0x1082;
	s9 =	sld [smem:$0x3FB5]  }
0x2f: {  	lr =	sadd.s32 s0, s3;
	s0 =	sld [smem:$0x3FAC]  }
0x30: {  	s3 =	sld [smem:$0x3FAF]  }
0x31: {  	[smem:$0x3FB8] =	sst s10  }
0x32: {  	s10 =	sld [smem:$0x3FB6];
	_ =	sdelay $0x3  }
0x33: {  	p0 =	seq.s32 s10, $0x1;
	s10 =	sld [smem:$0x3FB8];
	_ =	sdelay $0x3  }
0x34: {  	[smem:$0x3FB8] =	sst s10  }
0x35: {  	s10 =	sld [smem:$0x3FB7];
	_ =	sdelay $0x3  }
0x36: {  	p1 =	seq.s32 s10, $0x1;
	s10 =	sld [smem:$0x3FB8];
	_ =	sdelay $0x3  }
0x37: {  	[smem:$0x3FB8] =	sst s10  }
0x38: {  	s10 =	sld [smem:$0x3FB9]  }
0x39: {  	_ = 	snop;
	(pc) =	sbr.ind lr, $3  }
0x3a: {  	_ = 	snop  }
0x3b: {  	_ = 	snop  }
0x3c: {  	p2 =	seq.s32 s10, $0x1;
	s10 =	sld [smem:$0x3FB8]  }
0x3d: {  	_ =	shalt  }
0x3e: {  	_ =	shalt  }
0x3f: {  	_ =	shalt  }
0x40: {  	_ =	shalt  }
0x41: {  	_ =	shalt  }
0x42: {  	_ =	shalt  }
0x43: {  	_ =	shalt  }
0x44: {  	_ =	shalt  }
0x45: {  	_ =	shalt  }
0x46: {  	_ =	shalt  }
0x47: {  	_ =	shalt  }
0x48: {  	_ =	shalt  }
0x49: {  	_ =	shalt  }
0x4a: {  	_ =	shalt  }
0x4b: {  	_ =	shalt  }
0x4c: {  	_ =	shalt  }
0x4d: {  	_ =	shalt  }
0x4e: {  	_ =	shalt  }
0x4f: {  	_ =	shalt  }
0x50: {  	_ =	shalt  }
0x51: {  	_ =	shalt  }
0x52: {  	_ =	shalt  }
0x53: {  	_ =	shalt  }
0x54: {  	_ =	shalt  }
0x55: {  	_ =	shalt  }
0x56: {  	_ =	shalt  }
0x57: {  	_ =	shalt  }
0x58: {  	_ =	shalt  }
0x59: {  	_ =	shalt  }
0x5a: {  	_ =	shalt  }
0x5b: {  	_ =	shalt  }
0x5c: {  	_ =	shalt  }
0x5d: {  	_ =	shalt  }
0x5e: {  	_ =	shalt  }
0x5f: {  	_ =	shalt  }
0x60: {  	_ =	shalt  }
0x61: {  	_ =	shalt  }
0x62: {  	_ =	shalt  }
0x63: {  	_ =	shalt  }
0x64: {  	_ =	shalt  }
0x65: {  	_ =	shalt  }
0x66: {  	_ =	shalt  }
0x67: {  	_ =	shalt  }
0x68: {  	_ =	shalt  }
0x69: {  	_ =	shalt  }
0x6a: {  	_ =	shalt  }
0x6b: {  	_ =	shalt  }
0x6c: {  	_ =	shalt  }
0x6d: {  	_ =	shalt  }
0x6e: {  	_ =	shalt  }
0x6f: {  	_ =	shalt  }
0x70: {  	_ =	shalt  }
0x71: {  	_ =	shalt  }
0x72: {  	_ =	shalt  }
0x73: {  	_ =	shalt  }
0x74: {  	_ =	shalt  }
0x75: {  	_ =	shalt  }
0x76: {  	_ =	shalt  }
0x77: {  	_ =	shalt  }
0x78: {  	_ =	shalt  }
0x79: {  	_ =	shalt  }
0x7a: {  	_ =	shalt  }
0x7b: {  	_ =	shalt  }
0x7c: {  	_ =	shalt  }
0x7d: {  	_ =	shalt  }
0x7e: {  	_ =	shalt  }
0x7f: {  	_ =	shalt  }
0x80: {  	_ =	shalt  }
0x81: {  	_ =	shalt  }
0x82: {  	_ =	shalt  }
0x83: {  	_ =	shalt  }
0x84: {  	_ =	shalt  }
0x85: {  	_ =	shalt  }
0x86: {  	_ =	shalt  }
0x87: {  	_ =	shalt  }
.Lfunc_end0:
.L_simem_size_0:
called_computation_lowered:
.L_overlay_start_0:
0x88: {  	s0 =	sld [smem:$0x3FD9]  }
0x89: {  	s1 =	sld [smem:$0x3FFE];
	_ =	sdelay $0x3  }
0x8a: {  	s0 =	sadd.s32 s1, s0  }
0x8b: {  	[smem:$0x3FC4] =	sst s0  }
0x8c: {  	_ = 	snop  }
0x8d: {  	(tm) =	ssettm $0x1  }
0x8e: {  	s15 =	sld [smem:$0x3FFB];
	_ =	sdelay $0x3  }
0x8f: {  	_ =	strace s15  }
0x90: {  	s0 =	sld [smem:$0x3FFC];
	_ =	sdelay $0x3  }
0x91: {  	_ =	strace s0  }
0x92: {  	s0 =	sld [smem:$0x3FFD];
	_ =	sdelay $0x3  }
0x93: {  	_ =	strace s0  }
0x94: {  	_ =	strace $0x8FFFFFFF  }
0x95: {  	s16 =	sld [smem:$0x3FDB];
	_ =	sdelay $0x1  }
0x96: {  	s17 =	simm.s32 $_scs_section_size  }
0x97: {  	s2 =	simm.s32 $_size__tile_overlayer_lowered;
	s3 =	simm.s32 $_tile_overlayer_lowered  }
0x98: {  	s20 =	simm.s32 $0x1BFF;
	s19 =	sshll.u32 s3, $0x1;
	s0 =	sadd.s32 s17, s16  }
0x99: {  	s4 =	simm.s32 $0x0;
	s18 =	sshll.u32 s2, $0x1;
	s2 =	sadd.s32 s19, s0  }
0x9a: {  	[timem:s4], [sflag:s20] =	dma.local [hbm:s2], s18  }
0x9b: {  	_ =	swait.ge [sflag:s20], s18  }
0x9c: {  	s1 =	ssub.s32 $0x0, s18;
	[sflag:s20] =	ssyncset.done $0x0  }
0x9d: {  	[sflag:s20] =	ssyncadd.s32 s1;
	_ =	sdelay $0x1  }
0x9e: {  	s21 =	simm.s32 $0x1B8B  }
0x9f: {  	_ =	swait.ge [sflag:s21], $0x1  }
0xa0: {  	[sflag:s21] =	ssyncset.done $0x0  }
0xa1: {  	s23 =	simm.s32 $0x1B8E;
	s22 =	sld [smem:$0x3FFE];
	[sflag:s21] =	ssyncadd.s32 $0xFFFFFFFF  }
0xa2: {  	s24 =	simm.s32 $execute0_lowered;
	[smem:$0x3FD2] =	sst s23  }
0xa3: {  	s2 =	sshll.u32 s24, $0x1;
	_ =	strace $0x80000046;
	[dreg:$0x1] =	wrdreg $0xFFFFFFFF  }
0xa4: {  	s25 =	simm.s32 $_size_execute0_lowered;
	s0 =	sadd.s32 s0, s2;
	[dreg:$0x0] =	wrdreg $0x0  }
0xa5: {  	s2 =	sshll.u32 s25, $0x1;
	[dreg:$0x2] =	wrdreg s0  }
0xa6: {  	[dreg:$0x3] =	wrdreg s2  }
0xa7: {  	[dreg:$0x4] =	wrdreg $0xC0  }
0xa8: {  	_ =	task [dreg:s4], $0x5FFFF  }
0xa9: {  	[dreg:$0x1] =	wrdreg $0xFFFFFFFF  }
0xaa: {  	[dreg:$0x0] =	wrdreg $0x60  }
0xab: {  	[dreg:$0x2] =	wrdreg s22  }
0xac: {  	[dreg:$0x3] =	wrdreg $0x9  }
0xad: {  	_ =	task.clear_ibuf [dreg:s4], $0x4FFFF;
	_ =	strace $0x90000046  }
0xae: {  	s26 =	simm.s32 $0x9;
	_ =	strace $0x80000048  }
0xaf: {  	_ =	swait.ge [sflag:s26], $0x1  }
0xb0: {  	[sflag:s26] =	ssyncadd.s32 $0xFFFFFFFF  }
0xb1: {  	_ =	strace $0x90000048  }
0xb2: {  	_ =	sfence  }
0xb3: {  	s28 =	sld [smem:$0x0];
	_ =	sdelay $0x1  }
0xb4: {  	s29 =	srdreg.scid  }
0xb5: {  	s30 =	sshll.u32 s29, $0xD;
	s31 =	sshrl.u32 s29, $0x2  }
0xb6: {  	s1 =	sand.u32 $0x1, s29;
	s2 =	sand.u32 $0x4000, s30;
	s0 =	sadd.s32 s31, s28  }
0xb7: {  	s1 =	sor.u32 s2, s1;
	s0 =	sshll.u32 s0, $0x11  }
0xb8: {  	s0 =	sor.u32 s0, s1  }
0xb9: {  	s0 =	sadd.s32 $0x8F2B, s0  }
0xba: {  	[sflag:s0] =	ssyncadd.remote.s32 $0x1  }
0xbb: {  	_ =	sfence.sel $0xFFFF  }
0xbc: {  	[dreg:$0x0] =	wrdreg $0xFFFFFFFF;
	(pc) =	sbr.abs _section_cstart, $3  }
0xbd: {  	[dreg:$0x1] =	wrdreg $0xFFFFFFFF  }
0xbe: {  	_ =	task.clear_ibuf [dreg:s4], $0x2FFFF;
	_ =	strace $0x9FFFFFFF  }
0xbf: {  	(tm) =	ssettm $0x7FFFFFFF  }
tec
execute0_lowered:
.L_overlay_start_1:
0x0: {  	(tag) =	ssettag $0x1  }
0x1: {  	s2 =	rddreg [dreg:$0x0]  }
0x2: {  	s0 =	rddreg [dreg:$0x1];
	_ =	strace $0x80000047;
	s3 =	stileid.u32  }
0x3: {  	s4 =	simm.s32 $0x3E;
	s1 =	sadd.s32 $0x800, s2;
	p0 =	sne.s32 s3, $0x0  }
0x4: {  	[sflag:s4] =	ssyncpa.u1 $0x0;
	s5 =	simm.s32 @!p0 $0x1C3E;
	s6 =	simm.s32 @!p0 $0x0  }
0x5: {  	[spmem:s6], [sflag:s5] =	dma.local @!p0 [hbm:s1], $0x10  }
0x6: {  	s5 =	simm.s32 @!p0 $0x3E  }
0x7: {  	_ =	swait.ge @!p0 [sflag:s5], $0x10  }
0x8: {  	[sflag:s5] =	ssyncset.done @!p0 $0x0  }
0x9: {  	s21 =	simm.s32 $0x1;
	[sflag:s5] =	ssyncadd.s32 @!p0 $0xFFFFFFF0  }
0xa: {  	s7 =	simm.s32 $0x2;
	s8 =	simm.s32 $0x0;
	[bflag:$0x0] =	sbarrier.arrive $0xFFFF  }
0xb: {  	s9 =	simm.s32 $0x48;
	s22 =	sadd.s32 $0x600, s2;
	[sflag:s4] =	ssyncpa.u1 $0x1  }
0xc: {  	s2 =	sadd.s32 $0xA00, s2;
	s3 =	sshll.u32 s3, $0x3;
	[sflag:s21] =	ssyncpa.u1 $0x0  }
0xd: {  	s5 =	sadd.s32 s22, s3;
	(ifvalue) =	ssetifvalue $0x80;
	[sflag:s7] =	ssyncpa.u1 $0x0  }
0xe: {  	[tilespmem:s9], [sflag:$0x2] =	stream.linear.gather [hbm4b:s5+s8], $0x40, $0x38;
	[tilespmem:$0x108] =	vst v63  }
0xf: {  	s23 =	simm.s32 $0xC8;
	s2 =	sadd.s32 s2, s3  }
0x10: {  	[tilespmem:s23], [sflag:$0x2] =	stream.linear.gather [hbm4b:s2+s8], $0x40, $0x38;
	[tilespmem:$0x108] =	vst v63  }
0x11: {  	_ =	swait.ge [sflag:s7], $0x80  }
0x12: {  	[sflag:s7] =	ssyncset.done $0x0  }
0x13: {  	[sflag:s7] =	ssyncadd.s32 $0xFFFFFF80  }
0x14: {  	v0 =	vld.msk [tilespmem:s9+$0x0 ss:$0x1], $0xffff;
	_ =	sdelay $0x4  }
0x15: {  	v0 =	vmin.u32 v0, $0x80;
	_ =	sdelay $0x3  }
0x16: {  	vm0 =	vmmov $0xffff;
	s24 =	simm.s32 $0x58  }
0x17: {  	[spmem:s8] =	stream.indirect_vreg.scatter.add.s32 [tilespmem:s23], [sflag:$0x1], $0x1, v0, vm0, $0x4038;
	[tilespmem:$0x108] =	vst v63  }
0x18: {  	v0 =	vld.msk [tilespmem:s24+$0x0 ss:$0x1], $0xffff;
	_ =	sdelay $0x4  }
0x19: {  	v0 =	vmin.u32 v0, $0x80;
	_ =	sdelay $0x3  }
0x1a: {  	s25 =	simm.s32 $0xD8;
	s26 =	simm.s32 $0x68  }
0x1b: {  	[spmem:s8] =	stream.indirect_vreg.scatter.add.s32 [tilespmem:s25], [sflag:$0x1], $0x1, v0, vm0, $0x4038;
	[tilespmem:$0x108] =	vst v63  }
0x1c: {  	v0 =	vld.msk [tilespmem:s26+$0x0 ss:$0x1], $0xffff;
	_ =	sdelay $0x4  }
0x1d: {  	v0 =	vmin.u32 v0, $0x80;
	_ =	sdelay $0x3  }
0x1e: {  	s28 =	simm.s32 $0xE8;
	s29 =	simm.s32 $0x78  }
0x1f: {  	[spmem:s8] =	stream.indirect_vreg.scatter.add.s32 [tilespmem:s28], [sflag:$0x1], $0x1, v0, vm0, $0x4038;
	[tilespmem:$0x108] =	vst v63  }
0x20: {  	v0 =	vld.msk [tilespmem:s29+$0x0 ss:$0x1], $0xffff;
	_ =	sdelay $0x4  }
0x21: {  	v0 =	vmin.u32 v0, $0x80;
	_ =	sdelay $0x3  }
0x22: {  	s30 =	simm.s32 $0xF8  }
0x23: {  	[spmem:s8] =	stream.indirect_vreg.scatter.add.s32 [tilespmem:s30], [sflag:$0x1], $0x1, v0, vm0, $0x4038;
	[tilespmem:$0x108] =	vst v63  }
0x24: {  	_ =	swait.ge [sflag:s21], $0x40  }
0x25: {  	[sflag:s21] =	ssyncset.done $0x0  }
0x26: {  	[sflag:s21] =	ssyncadd.s32 $0xFFFFFFC0  }
0x27: {  	_ =	sfence.sel $0x180000  }
0x28: {  	[bflag:$0x0] =	sbarrier.arrive $0xFFFF  }
0x29: {  	[sflag:s7] =	ssyncpa.u1 $0x1  }
0x2a: {  	[sflag:s21] =	ssyncpa.u1 $0x1  }
0x2b: {  	_ =	sfence.stream.spmem  }
0x2c: {  	s31 =	simm.s32 $0x3D;
	[bflag:$0x0] =	sbarrier.arrive $0xFFFF  }
0x2d: {  	s2 =	simm.s32 @p0 $0x3D;
	[sflag:s31] =	ssyncpa.u1 $0x0  }
0x2e: {  	[sflag:s2] =	ssyncpa.u1 @p0 $0x1  }
0x2f: {  	[bflag:$0x0] =	sbarrier.arrive @p0 $0xFFFF  }
0x30: {  	_ =	strace @p0 $0x90000047  }
0x31: {  	s2 =	simm.s32 @!p0 $0x1C3D;
	[bflag:$0x2] =	sbarrier.arrive @p0 $0xFFFF  }
0x32: {  	[hbm:s1], [sflag:s2] =	dma.local @!p0 [spmem:s6], $0x10  }
0x33: {  	s1 =	simm.s32 @!p0 $0x3D  }
0x34: {  	_ =	swait.ge @!p0 [sflag:s1], $0x10  }
0x35: {  	[sflag:s1] =	ssyncset.done @!p0 $0x0  }
0x36: {  	[sflag:s1] =	ssyncadd.s32 @!p0 $0xFFFFFFF0  }
0x37: {  	[sflag:s1] =	ssyncpa.u1 @!p0 $0x1  }
0x38: {  	[bflag:$0x0] =	sbarrier.arrive @!p0 $0xFFFF  }
0x39: {  	_ =	strace @!p0 $0x90000047  }
0x3a: {  	s0 =	sadd.s32 @!p0 $0x100000, s0;
	[bflag:$0x2] =	sbarrier.arrive @!p0 $0xFFFF  }
0x3b: {  	[sflag:s0] =	ssyncadd.tile.s32 @!p0 $0x1;
	_ =	shalt  }
.Lfunc_end2:
_tile_overlayer_lowered:
.L_overlay_start_2:
0x3c: {  	(tag) =	ssettag $0x2  }
0x3d: {  	s0 =	rddreg [dreg:$0x0];
	s2 =	stileid.u32  }
0x3e: {  	s1 =	rddreg [dreg:$0x1];
	p0 =	sne.s32 s2, $0x0  }
0x3f: {  	s3 =	rddreg [dreg:$0x2];
	[bflag:$0x3] =	sbarrier.arrive $0xFFFF;
	s2 =	simm.s32 @!p0 $0x1C01  }
0x40: {  	[timem:s3], [sflag:s2] =	dma.local @!p0 [hbm:s0], s1  }
0x41: {  	s0 =	simm.s32 @!p0 $0x1  }
0x42: {  	_ =	swait.ge @!p0 [sflag:s0], s1  }
0x43: {  	s1 =	ssub.s32 @!p0 $0x0, s1;
	[sflag:s0] =	ssyncset.done @!p0 $0x0  }
0x44: {  	[sflag:s0] =	ssyncadd.s32 @!p0 s1  }
0x45: {  	[bflag:$0x3] =	sbarrier.arrive $0xFFFF  }
0x46: {  	_ =	shalt  }

// kernel: sparse-core-data-format-call.cloned.1.call-start
scs
called_computation.1_lowered:
.L_overlay_start_0:
0x0: {  	s2 =	sld [smem:$0x3FD9]  }
0x1: {  	s3 =	sld [smem:$0x3FFE];
	_ =	sdelay $0x1  }
0x2: {  	s1 =	srdreg.scid  }
0x3: {  	s0 =	sand.u32 $0x1, s1  }
0x4: {  	s18 =	sshll.u32 s0, $0xA;
	s2 =	sadd.s32 s3, s2  }
0x5: {  	s2 =	sadd.s32 s2, s18  }
0x6: {  	[smem:$0x3FC4] =	sst s2  }
0x7: {  	_ = 	snop  }
0x8: {  	s2 =	sld [smem:$0x3FD0];
	(tm) =	ssettm $0x1  }
0x9: {  	s19 =	sld [smem:$0x3FFB];
	_ =	sdelay $0x3  }
0xa: {  	_ =	strace s19  }
0xb: {  	s3 =	sld [smem:$0x3FFC];
	_ =	sdelay $0x3  }
0xc: {  	_ =	strace s3  }
0xd: {  	s3 =	sld [smem:$0x3FFD];
	_ =	sdelay $0x3  }
0xe: {  	_ =	strace s3  }
0xf: {  	_ =	strace $0x8FFFFFFF  }
0x10: {  	s20 =	sld [smem:$0x3FDB];
	_ =	sdelay $0x1  }
0x11: {  	s4 =	simm.s32 $_scs_section_size  }
0x12: {  	s5 =	simm.s32 $_size__tile_overlayer_lowered;
	s6 =	simm.s32 $_tile_overlayer_lowered  }
0x13: {  	s23 =	simm.s32 $0x1BFF;
	s22 =	sshll.u32 s6, $0x1;
	s3 =	sadd.s32 s4, s20  }
0x14: {  	s7 =	simm.s32 $0x0;
	s21 =	sshll.u32 s5, $0x1;
	s5 =	sadd.s32 s22, s3  }
0x15: {  	[timem:s7], [sflag:s23] =	dma.local [hbm:s5], s21  }
0x16: {  	_ =	swait.ge [sflag:s23], s21  }
0x17: {  	s4 =	ssub.s32 $0x0, s21;
	[sflag:s23] =	ssyncset.done $0x0  }
0x18: {  	[sflag:s23] =	ssyncadd.s32 s4;
	_ =	sdelay $0x1  }
0x19: {  	s24 =	simm.s32 $0x1B8B  }
0x1a: {  	_ =	swait.ge [sflag:s24], $0x1  }
0x1b: {  	[sflag:s24] =	ssyncset.done $0x0  }
0x1c: {  	s26 =	simm.s32 $0x1B8E;
	s25 =	sld [smem:$0x3FFE];
	[sflag:s24] =	ssyncadd.s32 $0xFFFFFFFF  }
0x1d: {  	s27 =	simm.s32 $execute0_lowered;
	[smem:$0x3FD2] =	sst s26  }
0x1e: {  	s5 =	sshll.u32 s27, $0x1;
	_ =	strace $0x80000052;
	[dreg:$0x1] =	wrdreg $0xFFFFFFFF  }
0x1f: {  	s28 =	simm.s32 $_size_execute0_lowered;
	s3 =	sadd.s32 s3, s5;
	[dreg:$0x0] =	wrdreg $0x0  }
0x20: {  	s5 =	sshll.u32 s28, $0x1;
	[dreg:$0x2] =	wrdreg s3  }
0x21: {  	[dreg:$0x3] =	wrdreg s5  }
0x22: {  	[dreg:$0x4] =	wrdreg $0xC0  }
0x23: {  	_ =	task [dreg:s7], $0x5FFFF  }
0x24: {  	[dreg:$0x1] =	wrdreg $0xFFFFFFFF  }
0x25: {  	[dreg:$0x0] =	wrdreg $0x60  }
0x26: {  	[dreg:$0x2] =	wrdreg s25  }
0x27: {  	[dreg:$0x3] =	wrdreg s2  }
0x28: {  	[dreg:$0x4] =	wrdreg $0x9  }
0x29: {  	_ =	task.clear_ibuf [dreg:s7], $0x5FFFF;
	_ =	strace $0x90000052  }
0x2a: {  	s29 =	simm.s32 $0x9;
	_ =	strace $0x80000054  }
0x2b: {  	_ =	swait.ge [sflag:s29], $0x1  }
0x2c: {  	[sflag:s29] =	ssyncadd.s32 $0xFFFFFFFF  }
0x2d: {  	_ =	strace $0x90000054  }
0x2e: {  	_ =	sfence  }
0x2f: {  	s30 =	sld [smem:$0x0];
	_ =	sdelay $0x2  }
0x30: {  	s31 =	sshll.u32 s1, $0xD;
	s1 =	sshrl.u32 s1, $0x2  }
0x31: {  	s3 =	sand.u32 $0x4000, s31;
	s1 =	sadd.s32 s1, s30  }
0x32: {  	s0 =	sor.u32 s3, s0;
	s1 =	sshll.u32 s1, $0x11  }
0x33: {  	s0 =	sor.u32 s1, s0  }
0x34: {  	s0 =	sadd.s32 $0x8F2B, s0  }
0x35: {  	[sflag:s0] =	ssyncadd.remote.s32 $0x1  }
0x36: {  	_ =	sfence.sel $0xFFFF  }
0x37: {  	[dreg:$0x0] =	wrdreg $0xFFFFFFFF;
	(pc) =	sbr.abs _section_cstart, $3  }
0x38: {  	[dreg:$0x1] =	wrdreg $0xFFFFFFFF  }
0x39: {  	_ =	task.clear_ibuf [dreg:s7], $0x2FFFF;
	_ =	strace $0x9FFFFFFF  }
0x3a: {  	(tm) =	ssettm $0x7FFFFFFF  }
0x3b: {  	_ =	shalt  }
tec
execute0_lowered:
.L_overlay_start_1:
0x0: {  	(tag) =	ssettag $0x1  }
0x1: {  	s0 =	srdreg.scid;
	s1 =	rddreg [dreg:$0x0]  }
0x2: {  	s2 =	rddreg [dreg:$0x1];
	s5 =	simm.s32 $0x1;
	s7 =	simm.s32 $0x2  }
0x3: {  	s8 =	simm.s32 $0x0;
	p0 =	por $0x0, $0x0;
	s0 =	sshll.u32 s0, $0x1  }
0x4: {  	s12 =	simm.s32 $0x0;
	s13 =	simm.s32 $0x0;
	s3 =	sand.u32 $0x2, s0  }
.Ltmp0:
0x5: {  	s10 =	stileid.u32;
	s4 =	ssub.s32 $0x80, s3;
	(pc) =	sbr.rel .LBB1_1-.Ltmp0, $4  }
0x6: {  	s11 =	simm.s32 $0x0;
	s0 =	rddreg [dreg:$0x2];
	s6 =	sshrl.u32 s4, $0x1  }
0x7: {  	_ =	strace $0x80000053;
	s4 =	sshrl.u32 s4, $0x2;
	s6 =	sand.u32 $0x1, s6  }
0x8: {  	[sflag:s5] =	ssyncpa.u1 $0x0;
	s9 =	smov.u32 s3;
	s6 =	sadd.s32 s4, s6  }
0x9: {  	[sflag:s7] =	ssyncpa.u1 $0x0;
	s4 =	stileid.u32;
	s7 =	sadd.s32 $0x1, s6  }
.LBB1_7:
0xa: {  	s14 =	sadd.s32 $0x4, s9  }
0xb: {  	s12 =	sadd.s32 $0x10, s10;
	s16 =	smov.u32 s10;
	p2 =	sgt.s32 s14, $0x7F  }
0xc: {  	s16 =	smov.u32 @p2 s12  }
0xd: {  	s14 =	smov.u32 @p2 s3;
	p2 =	sgt.s32 s16, $0xF  }
0xe: {  	s16 =	smov.u32 @p2 s4;
	p2 =	sne.s32 s11, s7  }
.Ltmp1:
0xf: {  	p1 =	slt.u32 s11, $0x2;
	(pc) =	sbr.rel @!p2 .LBB1_8-.Ltmp1, $4  }
0x10: {  	s15 =	simm.s32 @!p1 $0x2  }
0x11: {  	s13 =	smov.u32 s10;
	p0 =	por !p0, !p0;
	_ =	swait.ge @!p1 [sflag:s15], $0x4000  }
0x12: {  	s12 =	smov.u32 s9;
	[sflag:s15] =	ssyncset.done @!p1 $0x0;
	s9 =	smov.u32 s14  }
0x13: {  	s11 =	sadd.s32 $0x1, s11;
	[sflag:s15] =	ssyncadd.s32 @!p1 $0xFFFFC000;
	s10 =	smov.u32 s16  }
.LBB1_1:
0x14: {  	p1 =	sge.u32 s11, s6;
	s31 =	sadd.s32 $0xFFFFFFFF, s11  }
0x15: {  	s14 =	sxor.u32 @!p1 $0xFFFFFFFF, s11;
	s15 =	sshll.u32 @!p1 s10, $0x12;
	s16 =	sshll.u32 @!p1 s9, $0xB  }
0x16: {  	s17 =	simm.s32 @!p1 $0x80;
	s14 =	sshll.u32 @!p1 s14, $0xE;
	s15 =	sadd.s32 @!p1 s1, s15  }
0x17: {  	s14 =	sand.u32 @!p1 $0x4000, s14;
	s15 =	sadd.s32 @!p1 s16, s15;
	s16 =	simm.s32 @!p1 $0x40  }
0x18: {  	[tilespmem:s14], [sflag:$0x1] =	stream.strided.gather @!p1 [hbm4b:s15+s16], $0x4000, s17, s16, $0x38;
	[tilespmem:$0x10100] =	vst v63  }
0x19: {  	p1 =	sge.u32 s31, s6  }
.Ltmp2:
0x1a: {  	_ = 	snop;
	(pc) =	sbr.rel @p1 .LBB1_7-.Ltmp2, $1  }
0x1b: {  	_ =	sdelay $0x3  }
0x1c: {  	s14 =	simm.s32 $0x1;
	s16 =	sand.u32 $0x1, s11  }
0x1d: {  	_ =	swait.ge [sflag:s5], $0x4000;
	s14 =	simm.s32 @!p0 $0x0;
	s16 =	smul.u32 $0x10200, s16  }
0x1e: {  	p2 =	por $0x1, $0x1;
	[sflag:s5] =	ssyncset.done $0x0;
	s15 =	smul.u32 $0x10200, s14  }
0x1f: {  	s17 =	sshll.u32 s14, $0x10;
	[sflag:s5] =	ssyncadd.s32 $0xFFFFC000;
	s30 =	sshrl.u32 s16, $0x2  }
0x20: {  	s31 =	sshrl.u32 s17, $0x2;
	s17 =	simm.s32 $0x0;
	s15 =	sshrl.u32 s15, $0x2  }
0x21: {  	s14 =	sor.u32 $0x8000, s30;
	s16 =	sadd.s32 $0x20, s31;
	s15 =	sor.u32 $0x8000, s15  }
.LBB1_3:
0x22: {  	s18 =	sshll.u32 s17, $0xD  }
0x23: {  	s18 =	sand.u32 $0x3FFFE000, s18  }
0x24: {  	s20 =	sadd.s32 s18, s16  }
0x25: {  	s31 =	smul.u32 $0x8100, s17;
	v3 =	vld [tilespmem:s20+$0x10]  }
0x26: {  	v1 =	vld [tilespmem:s20+$0xFFFFFFF0]  }
0x27: {  	s17 =	sshra.s32 s31, $0x2;
	v0 =	vld [tilespmem:s20+$0x0]  }
0x28: {  	s17 =	sadd.s32 s17, s15;
	v2 =	vld [tilespmem:s20+$0xFFFFFFE0]  }
0x29: {  	s18 =	sadd.s32 $0x0, s17  }
0x2a: {  	p1 =	por p2, p2;
	s19 =	simm.s32 $0x4;
	s20 =	sadd.s32 $0x40, s20;
	[tilespmem:s18+$0x1830 ss:$0x81] =	vst.msk $0xffff, v3  }
.LBB1_4:
0x2b: {  	v3 =	vld [tilespmem:s20+$0x10];
	p2 =	sne.s32 s19, $0x1FC;
	[tilespmem:s18+$0x810 ss:$0x81] =	vst.msk $0xffff, v1;
	s21 =	smov.u32 s19;
	s19 =	sadd.s32 $0x4, s19  }
.Ltmp3:
0x2c: {  	v1 =	vld [tilespmem:s20+$0xFFFFFFF0];
	[tilespmem:s18+$0x1020 ss:$0x81] =	vst.msk $0xffff, v0;
	(pc) =	sbr.rel @p2 .LBB1_4-.Ltmp3, $4  }
0x2d: {  	v0 =	vld [tilespmem:s20+$0x0];
	[tilespmem:s18+$0x0 ss:$0x81] =	vst.msk $0xffff, v2  }
0x2e: {  	s18 =	sshra.s32 s21, $0x2;
	v2 =	vld [tilespmem:s20+$0xFFFFFFE0]  }
0x2f: {  	s18 =	sadd.s32 s18, s17  }
0x30: {  	s20 =	sadd.s32 $0x40, s20;
	[tilespmem:s18+$0x1830 ss:$0x81] =	vst.msk $0xffff, v3  }
.Ltmp4:
0x31: {  	(pc) =	sbr.rel @p1 .LBB1_3-.Ltmp4, $4  }
0x32: {  	_ = 	snop  }
0x33: {  	[tilespmem:s18+$0x810 ss:$0x81] =	vst.msk $0xffff, v1  }
0x34: {  	[tilespmem:s18+$0x1020 ss:$0x81] =	vst.msk $0xffff, v0  }
0x35: {  	s17 =	simm.s32 $0x1;
	p2 =	por $0x0, $0x0;
	[tilespmem:s18+$0x0 ss:$0x81] =	vst.msk $0xffff, v2  }
.Ltmp5:
0x36: {  	(pc) =	sbr.rel .LBB1_7-.Ltmp5, $4  }
0x37: {  	s13 =	sshll.u32 s13, $0x11  }
0x38: {  	s12 =	sshll.u32 s12, $0xA;
	s13 =	sadd.s32 s2, s13  }
0x39: {  	s12 =	sadd.s32 s12, s13  }
0x3a: {  	[hbm4b:s12+s8] =	stream.linear.scatter [tilespmem:s14], [sflag:$0x2], $0x4000, $0x20;
	[tilespmem:$0x10100] =	vst v63  }
.LBB1_8:
0x3b: {  	_ =	sfence.sel $0x180000  }
0x3c: {  	s1 =	simm.s32 $0x1;
	[bflag:$0x0] =	sbarrier.arrive $0xFFFF  }
0x3d: {  	s31 =	simm.s32 $0x2;
	[sflag:s1] =	ssyncpa.u1 $0x1  }
0x3e: {  	[sflag:s31] =	ssyncpa.u1 $0x1  }
0x3f: {  	p0 =	sne.s32 s4, $0x0;
	_ =	strace $0x90000053  }
0x40: {  	s0 =	sadd.s32 @!p0 $0x100000, s0;
	[bflag:$0x2] =	sbarrier.arrive $0xFFFF  }
0x41: {  	[sflag:s0] =	ssyncadd.tile.s32 @!p0 $0x1;
	_ =	shalt  }
.Lfunc_end1:
_tile_overlayer_lowered:
.L_overlay_start_2:
0x42: {  	(tag) =	ssettag $0x2  }
0x43: {  	s0 =	rddreg [dreg:$0x0];
	s2 =	stileid.u32  }
0x44: {  	s1 =	rddreg [dreg:$0x1];
	p0 =	sne.s32 s2, $0x0  }
0x45: {  	s3 =	rddreg [dreg:$0x2];
	[bflag:$0x3] =	sbarrier.arrive $0xFFFF;
	s2 =	simm.s32 @!p0 $0x1C01  }
0x46: {  	[timem:s3], [sflag:s2] =	dma.local @!p0 [hbm:s0], s1  }
0x47: {  	s0 =	simm.s32 @!p0 $0x1  }
0x48: {  	_ =	swait.ge @!p0 [sflag:s0], s1  }
0x49: {  	s1 =	ssub.s32 @!p0 $0x0, s1;
	[sflag:s0] =	ssyncset.done @!p0 $0x0  }
0x4a: {  	[sflag:s0] =	ssyncadd.s32 @!p0 s1  }
0x4b: {  	[bflag:$0x3] =	sbarrier.arrive $0xFFFF  }
0x4c: {  	_ =	shalt  }

</sc_bundles>
